<compile_context>
chip_gen: v7x
topology: tpu7x:2x2x1
jax: 0.10.2.dev20260603
libtpu: 0.0.44.dev20260713+nightly
codegen_flags: <defaults>
</compile_context>

<pallas_src>
import functools

import jax
import jax.numpy as jnp
from jax import lax
from jax.experimental import pallas as pl
from jax.experimental.pallas import tpu as pltpu
from jax.experimental.pallas import tpu_sc as plsc

SEQ = 2048
HEADS = 16
NREL = 2 * SEQ - 1
PROW = 2 * SEQ
NFIRE = 16


def _sc_body(table_hbm, out_hbm, table_v, p_v, sem):
    c = lax.axis_index("c")
    s = lax.axis_index("s")
    h = s
    half = c

    pltpu.sync_copy(table_hbm, table_v)

    lane = lax.iota(jnp.int32, 16)
    h_vec = jnp.full((16,), h, jnp.int32)

    def build(k, _):
        m = jnp.full((16,), k * 16, jnp.int32) + lane
        for r in range(8):
            pad = (8 - r) & 7
            row = jnp.full((16,), NREL - 1 + pad, jnp.int32) - m
            row = jnp.clip(row, 0, NREL - 1)
            flat = row * HEADS + h_vec
            p_v[pl.ds(r * PROW + k * 16, 16)] = plsc.load_gather(table_v, [flat])
        return 0

    lax.fori_loop(0, PROW // 16, build, 0)

    rows_per_worker = SEQ // 2
    base_i = half * rows_per_worker
    out_head_base = h * (SEQ * SEQ)

    def issue(i):
        sidx = (SEQ - 1) - i
        r = jnp.bitwise_and(sidx, 7)
        start = jnp.bitwise_and(sidx + 7, ~7)
        src_off = pl.multiple_of(r * PROW + start, 8)
        dst_off = pl.multiple_of(out_head_base + i * SEQ, SEQ)
        pltpu.async_copy(
            p_v.at[pl.ds(src_off, SEQ)],
            out_hbm.at[pl.ds(dst_off, SEQ)],
            sem,
        )

    def wait_one_row():
        pltpu.make_async_copy(
            p_v.at[pl.ds(0, SEQ)], out_hbm.at[pl.ds(0, SEQ)], sem
        ).wait()

    def emit(b, _):
        for u in range(NFIRE):
            issue(base_i + b * NFIRE + u)

        @pl.when(b > 0)
        def _():
            for _u in range(NFIRE):
                wait_one_row()

        return 0

    lax.fori_loop(0, rows_per_worker // NFIRE, emit, 0)
    for _u in range(NFIRE):
        wait_one_row()


@jax.jit
def _rel_pos_bias(table_flat):
    mesh = plsc.VectorSubcoreMesh(core_axis_name="c", subcore_axis_name="s")
    run = pl.kernel(
        _sc_body,
        out_type=jax.ShapeDtypeStruct((HEADS * SEQ * SEQ,), jnp.float32),
        mesh=mesh,
        scratch_types=[
            pltpu.VMEM((NREL * HEADS,), jnp.float32),
            pltpu.VMEM((8 * PROW,), jnp.float32),
            pltpu.SemaphoreType.DMA,
        ],
        compiler_params=pltpu.CompilerParams(needs_layout_passes=False),
    )
    return run(table_flat)


def kernel(relative_position_bias_table, relative_position_index):
    del relative_position_index
    table_flat = relative_position_bias_table.reshape(-1).astype(jnp.float32)
    out = _rel_pos_bias(table_flat)
    return out.reshape(HEADS, SEQ, SEQ)

# --- scband reference (transcript-rebuilt; emitter-appended) ---
"""Pipeline reference for scband-relative-position-bias-88888643158480 (READ-ONLY COPY).

The authoritative reference and input builder live on the scoring server;
editing this copy changes nothing except your own understanding.
"""

import jax, jax.numpy as jnp
import numpy as np

SEQ_LEN = 2048
NUM_HEADS = 16
INIT_STD = 0.02


def setup_inputs(seed: int = 0) -> dict:
    key = jax.random.key(seed)
    # deterministic relative position index (1d), matching torch buffer
    coords = jnp.arange(SEQ_LEN)
    relative_position_index = (coords[:, None] - coords[None, :]) + (SEQ_LEN - 1)
    relative_position_index = relative_position_index.astype(jnp.int64)
    # learned bias table ~ trunc_normal(std=0.02)
    num_rel = 2 * SEQ_LEN - 1
    table = jax.random.truncated_normal(key, -2.0, 2.0, (num_rel, NUM_HEADS), dtype=jnp.float32) * INIT_STD
    return {
        "relative_position_bias_table": table,
        "relative_position_index": relative_position_index,
    }


def reference(relative_position_bias_table, relative_position_index):
    N = relative_position_index.shape[0]
    num_heads = relative_position_bias_table.shape[1]
    # gather: table[idx] -> [N*N, H]
    bias = jnp.take(relative_position_bias_table, relative_position_index.reshape(-1), axis=0)
    bias = bias.reshape(N, N, num_heads)
    bias = jnp.transpose(bias, (2, 0, 1))
    return bias

if __name__ == "__main__":
    import jax
    _d = setup_inputs()
    print(jax.jit(kernel)(*tuple(_d.values())))

</pallas_src>

<mosaic_0001>
#map = affine_map<(d0, d1) -> (0)>
module attributes {stable_mosaic.version = 14 : i64} {
  func.func @_sc_body(%arg0: i32, %arg1: i32, %arg2: memref<65520xf32, #tpu.memory_space<hbm>>, %arg3: memref<67108864xf32, #tpu.memory_space<hbm>>, %arg4: memref<65520xf32, #tpu.memory_space<vmem>>, %arg5: memref<32768xf32, #tpu.memory_space<vmem>>, %arg6: memref<!tpu.dma_semaphore, #tpu.memory_space<semaphore_mem>>) attributes {dimension_semantics = [#tpu.dimension_semantics<core_parallel>, #tpu.dimension_semantics<subcore_parallel>], iteration_bounds = array<i64: 2, 16>, scalar_prefetch = 0 : i64, scratch_operands = 3 : i64, tpu.core_type = #tpu.core_type<sc_vector_subcore>, window_params = [{transform_indices = #map}, {transform_indices = #map}]} {
    "tpu.region"() ({
      %run_scoped3A = tpu.sem_alloc : memref<!tpu.dma_semaphore, #tpu.memory_space<semaphore_mem>>
      tpu.enqueue_dma source(%arg2 : memref<65520xf32, #tpu.memory_space<hbm>>) target(%arg4 : memref<65520xf32, #tpu.memory_space<vmem>>) target_semaphore(%run_scoped3A : memref<!tpu.dma_semaphore, #tpu.memory_space<semaphore_mem>>)
      tpu.wait_dma2 semaphore(%run_scoped3A : memref<!tpu.dma_semaphore, #tpu.memory_space<semaphore_mem>>) src(%arg2 : memref<65520xf32, #tpu.memory_space<hbm>>) dst(%arg4 : memref<65520xf32, #tpu.memory_space<vmem>>)
      tpu.yield
    }) : () -> ()
    %iota3A = tpu.iota {dimensions = array<i32: 0>} : vector<16xi32>
    %broadcast_in_dim3A = vector.broadcast %arg1 : i32 to vector<16xi32>
    %scan3A = arith.constant 0 : i32
    %scan3A_0 = arith.constant 0 : i32
    %scan3A_1 = arith.constant 256 : i32
    %scan3A_2 = arith.addi %scan3A_0, %scan3A_1 : i32
    %scan3A_3 = arith.constant 1 : i32
    %scan3A_4 = scf.for %scan3A_143 = %scan3A_0 to %scan3A_2 step %scan3A_3 iter_args(%scan3A_144 = %scan3A) -> (i32)  : i32 {
      %mul3A_145 = arith.constant 16 : i32
      %mul3A_146 = arith.muli %scan3A_143, %mul3A_145 : i32
      %broadcast_in_dim3A_147 = vector.broadcast %mul3A_146 : i32 to vector<16xi32>
      %add3A = arith.addi %broadcast_in_dim3A_147, %iota3A : vector<16xi32>
      %broadcast_in_dim3A_148 = arith.constant 4094 : i32
      %broadcast_in_dim3A_149 = vector.broadcast %broadcast_in_dim3A_148 : i32 to vector<16xi32>
      %sub3A = arith.subi %broadcast_in_dim3A_149, %add3A : vector<16xi32>
      %jit3A = arith.constant 0 : i32
      %jit3A_150 = arith.constant 4094 : i32
      %max3A = vector.broadcast %jit3A : i32 to vector<16xi32>
      %max3A_151 = arith.maxsi %max3A, %sub3A : vector<16xi32>
      %min3A = vector.broadcast %jit3A_150 : i32 to vector<16xi32>
      %min3A_152 = arith.minsi %min3A, %max3A_151 : vector<16xi32>
      %mul3A_153 = arith.constant 16 : i32
      %mul3A_154 = vector.broadcast %mul3A_153 : i32 to vector<16xi32>
      %mul3A_155 = arith.muli %min3A_152, %mul3A_154 : vector<16xi32>
      %add3A_156 = arith.addi %mul3A_155, %broadcast_in_dim3A : vector<16xi32>
      %gather3A = tpu.vector_load_idx %arg4[%add3A_156] : memref<65520xf32, #tpu.memory_space<vmem>>[vector<16xi32>], vector<16xf32>,
      %mul3A_157 = arith.constant 16 : i32
      %mul3A_158 = arith.muli %scan3A_143, %mul3A_157 : i32
      %add3A_159 = arith.constant 0 : i32
      %add3A_160 = arith.addi %add3A_159, %mul3A_158 : i32
      %swap3A = arith.index_cast %add3A_160 : i32 to index
      %swap3A_161 = tpu.vector_load %arg5[%swap3A] {strides = array<i32>} : memref<32768xf32, #tpu.memory_space<vmem>>, vector<16xf32>,
      tpu.vector_store %arg5[%swap3A], %gather3A {strides = array<i32>} : memref<32768xf32, #tpu.memory_space<vmem>>, vector<16xf32>,
      %broadcast_in_dim3A_162 = arith.constant 4101 : i32
      %broadcast_in_dim3A_163 = vector.broadcast %broadcast_in_dim3A_162 : i32 to vector<16xi32>
      %sub3A_164 = arith.subi %broadcast_in_dim3A_163, %add3A : vector<16xi32>
      %jit3A_165 = arith.constant 0 : i32
      %jit3A_166 = arith.constant 4094 : i32
      %max3A_167 = vector.broadcast %jit3A_165 : i32 to vector<16xi32>
      %max3A_168 = arith.maxsi %max3A_167, %sub3A_164 : vector<16xi32>
      %min3A_169 = vector.broadcast %jit3A_166 : i32 to vector<16xi32>
      %min3A_170 = arith.minsi %min3A_169, %max3A_168 : vector<16xi32>
      %mul3A_171 = arith.constant 16 : i32
      %mul3A_172 = vector.broadcast %mul3A_171 : i32 to vector<16xi32>
      %mul3A_173 = arith.muli %min3A_170, %mul3A_172 : vector<16xi32>
      %add3A_174 = arith.addi %mul3A_173, %broadcast_in_dim3A : vector<16xi32>
      %gather3A_175 = tpu.vector_load_idx %arg4[%add3A_174] : memref<65520xf32, #tpu.memory_space<vmem>>[vector<16xi32>], vector<16xf32>,
      %mul3A_176 = arith.constant 16 : i32
      %mul3A_177 = arith.muli %scan3A_143, %mul3A_176 : i32
      %add3A_178 = arith.constant 4096 : i32
      %add3A_179 = arith.addi %add3A_178, %mul3A_177 : i32
      %swap3A_180 = arith.index_cast %add3A_179 : i32 to index
      %swap3A_181 = tpu.vector_load %arg5[%swap3A_180] {strides = array<i32>} : memref<32768xf32, #tpu.memory_space<vmem>>, vector<16xf32>,
      tpu.vector_store %arg5[%swap3A_180], %gather3A_175 {strides = array<i32>} : memref<32768xf32, #tpu.memory_space<vmem>>, vector<16xf32>,
      %broadcast_in_dim3A_182 = arith.constant 4100 : i32
      %broadcast_in_dim3A_183 = vector.broadcast %broadcast_in_dim3A_182 : i32 to vector<16xi32>
      %sub3A_184 = arith.subi %broadcast_in_dim3A_183, %add3A : vector<16xi32>
      %jit3A_185 = arith.constant 0 : i32
      %jit3A_186 = arith.constant 4094 : i32
      %max3A_187 = vector.broadcast %jit3A_185 : i32 to vector<16xi32>
      %max3A_188 = arith.maxsi %max3A_187, %sub3A_184 : vector<16xi32>
      %min3A_189 = vector.broadcast %jit3A_186 : i32 to vector<16xi32>
      %min3A_190 = arith.minsi %min3A_189, %max3A_188 : vector<16xi32>
      %mul3A_191 = arith.constant 16 : i32
      %mul3A_192 = vector.broadcast %mul3A_191 : i32 to vector<16xi32>
      %mul3A_193 = arith.muli %min3A_190, %mul3A_192 : vector<16xi32>
      %add3A_194 = arith.addi %mul3A_193, %broadcast_in_dim3A : vector<16xi32>
      %gather3A_195 = tpu.vector_load_idx %arg4[%add3A_194] : memref<65520xf32, #tpu.memory_space<vmem>>[vector<16xi32>], vector<16xf32>,
      %mul3A_196 = arith.constant 16 : i32
      %mul3A_197 = arith.muli %scan3A_143, %mul3A_196 : i32
      %add3A_198 = arith.constant 8192 : i32
      %add3A_199 = arith.addi %add3A_198, %mul3A_197 : i32
      %swap3A_200 = arith.index_cast %add3A_199 : i32 to index
      %swap3A_201 = tpu.vector_load %arg5[%swap3A_200] {strides = array<i32>} : memref<32768xf32, #tpu.memory_space<vmem>>, vector<16xf32>,
      tpu.vector_store %arg5[%swap3A_200], %gather3A_195 {strides = array<i32>} : memref<32768xf32, #tpu.memory_space<vmem>>, vector<16xf32>,
      %broadcast_in_dim3A_202 = arith.constant 4099 : i32
      %broadcast_in_dim3A_203 = vector.broadcast %broadcast_in_dim3A_202 : i32 to vector<16xi32>
      %sub3A_204 = arith.subi %broadcast_in_dim3A_203, %add3A : vector<16xi32>
      %jit3A_205 = arith.constant 0 : i32
      %jit3A_206 = arith.constant 4094 : i32
      %max3A_207 = vector.broadcast %jit3A_205 : i32 to vector<16xi32>
      %max3A_208 = arith.maxsi %max3A_207, %sub3A_204 : vector<16xi32>
      %min3A_209 = vector.broadcast %jit3A_206 : i32 to vector<16xi32>
      %min3A_210 = arith.minsi %min3A_209, %max3A_208 : vector<16xi32>
      %mul3A_211 = arith.constant 16 : i32
      %mul3A_212 = vector.broadcast %mul3A_211 : i32 to vector<16xi32>
      %mul3A_213 = arith.muli %min3A_210, %mul3A_212 : vector<16xi32>
      %add3A_214 = arith.addi %mul3A_213, %broadcast_in_dim3A : vector<16xi32>
      %gather3A_215 = tpu.vector_load_idx %arg4[%add3A_214] : memref<65520xf32, #tpu.memory_space<vmem>>[vector<16xi32>], vector<16xf32>,
      %mul3A_216 = arith.constant 16 : i32
      %mul3A_217 = arith.muli %scan3A_143, %mul3A_216 : i32
      %add3A_218 = arith.constant 12288 : i32
      %add3A_219 = arith.addi %add3A_218, %mul3A_217 : i32
      %swap3A_220 = arith.index_cast %add3A_219 : i32 to index
      %swap3A_221 = tpu.vector_load %arg5[%swap3A_220] {strides = array<i32>} : memref<32768xf32, #tpu.memory_space<vmem>>, vector<16xf32>,
      tpu.vector_store %arg5[%swap3A_220], %gather3A_215 {strides = array<i32>} : memref<32768xf32, #tpu.memory_space<vmem>>, vector<16xf32>,
      %broadcast_in_dim3A_222 = arith.constant 4098 : i32
      %broadcast_in_dim3A_223 = vector.broadcast %broadcast_in_dim3A_222 : i32 to vector<16xi32>
      %sub3A_224 = arith.subi %broadcast_in_dim3A_223, %add3A : vector<16xi32>
      %jit3A_225 = arith.constant 0 : i32
      %jit3A_226 = arith.constant 4094 : i32
      %max3A_227 = vector.broadcast %jit3A_225 : i32 to vector<16xi32>
      %max3A_228 = arith.maxsi %max3A_227, %sub3A_224 : vector<16xi32>
      %min3A_229 = vector.broadcast %jit3A_226 : i32 to vector<16xi32>
      %min3A_230 = arith.minsi %min3A_229, %max3A_228 : vector<16xi32>
      %mul3A_231 = arith.constant 16 : i32
      %mul3A_232 = vector.broadcast %mul3A_231 : i32 to vector<16xi32>
      %mul3A_233 = arith.muli %min3A_230, %mul3A_232 : vector<16xi32>
      %add3A_234 = arith.addi %mul3A_233, %broadcast_in_dim3A : vector<16xi32>
      %gather3A_235 = tpu.vector_load_idx %arg4[%add3A_234] : memref<65520xf32, #tpu.memory_space<vmem>>[vector<16xi32>], vector<16xf32>,
      %mul3A_236 = arith.constant 16 : i32
      %mul3A_237 = arith.muli %scan3A_143, %mul3A_236 : i32
      %add3A_238 = arith.constant 16384 : i32
      %add3A_239 = arith.addi %add3A_238, %mul3A_237 : i32
      %swap3A_240 = arith.index_cast %add3A_239 : i32 to index
      %swap3A_241 = tpu.vector_load %arg5[%swap3A_240] {strides = array<i32>} : memref<32768xf32, #tpu.memory_space<vmem>>, vector<16xf32>,
      tpu.vector_store %arg5[%swap3A_240], %gather3A_235 {strides = array<i32>} : memref<32768xf32, #tpu.memory_space<vmem>>, vector<16xf32>,
      %broadcast_in_dim3A_242 = arith.constant 4097 : i32
      %broadcast_in_dim3A_243 = vector.broadcast %broadcast_in_dim3A_242 : i32 to vector<16xi32>
      %sub3A_244 = arith.subi %broadcast_in_dim3A_243, %add3A : vector<16xi32>
      %jit3A_245 = arith.constant 0 : i32
      %jit3A_246 = arith.constant 4094 : i32
      %max3A_247 = vector.broadcast %jit3A_245 : i32 to vector<16xi32>
      %max3A_248 = arith.maxsi %max3A_247, %sub3A_244 : vector<16xi32>
      %min3A_249 = vector.broadcast %jit3A_246 : i32 to vector<16xi32>
      %min3A_250 = arith.minsi %min3A_249, %max3A_248 : vector<16xi32>
      %mul3A_251 = arith.constant 16 : i32
      %mul3A_252 = vector.broadcast %mul3A_251 : i32 to vector<16xi32>
      %mul3A_253 = arith.muli %min3A_250, %mul3A_252 : vector<16xi32>
      %add3A_254 = arith.addi %mul3A_253, %broadcast_in_dim3A : vector<16xi32>
      %gather3A_255 = tpu.vector_load_idx %arg4[%add3A_254] : memref<65520xf32, #tpu.memory_space<vmem>>[vector<16xi32>], vector<16xf32>,
      %mul3A_256 = arith.constant 16 : i32
      %mul3A_257 = arith.muli %scan3A_143, %mul3A_256 : i32
      %add3A_258 = arith.constant 20480 : i32
      %add3A_259 = arith.addi %add3A_258, %mul3A_257 : i32
      %swap3A_260 = arith.index_cast %add3A_259 : i32 to index
      %swap3A_261 = tpu.vector_load %arg5[%swap3A_260] {strides = array<i32>} : memref<32768xf32, #tpu.memory_space<vmem>>, vector<16xf32>,
      tpu.vector_store %arg5[%swap3A_260], %gather3A_255 {strides = array<i32>} : memref<32768xf32, #tpu.memory_space<vmem>>, vector<16xf32>,
      %broadcast_in_dim3A_262 = arith.constant 4096 : i32
      %broadcast_in_dim3A_263 = vector.broadcast %broadcast_in_dim3A_262 : i32 to vector<16xi32>
      %sub3A_264 = arith.subi %broadcast_in_dim3A_263, %add3A : vector<16xi32>
      %jit3A_265 = arith.constant 0 : i32
      %jit3A_266 = arith.constant 4094 : i32
      %max3A_267 = vector.broadcast %jit3A_265 : i32 to vector<16xi32>
      %max3A_268 = arith.maxsi %max3A_267, %sub3A_264 : vector<16xi32>
      %min3A_269 = vector.broadcast %jit3A_266 : i32 to vector<16xi32>
      %min3A_270 = arith.minsi %min3A_269, %max3A_268 : vector<16xi32>
      %mul3A_271 = arith.constant 16 : i32
      %mul3A_272 = vector.broadcast %mul3A_271 : i32 to vector<16xi32>
      %mul3A_273 = arith.muli %min3A_270, %mul3A_272 : vector<16xi32>
      %add3A_274 = arith.addi %mul3A_273, %broadcast_in_dim3A : vector<16xi32>
      %gather3A_275 = tpu.vector_load_idx %arg4[%add3A_274] : memref<65520xf32, #tpu.memory_space<vmem>>[vector<16xi32>], vector<16xf32>,
      %mul3A_276 = arith.constant 16 : i32
      %mul3A_277 = arith.muli %scan3A_143, %mul3A_276 : i32
      %add3A_278 = arith.constant 24576 : i32
      %add3A_279 = arith.addi %add3A_278, %mul3A_277 : i32
      %swap3A_280 = arith.index_cast %add3A_279 : i32 to index
      %swap3A_281 = tpu.vector_load %arg5[%swap3A_280] {strides = array<i32>} : memref<32768xf32, #tpu.memory_space<vmem>>, vector<16xf32>,
      tpu.vector_store %arg5[%swap3A_280], %gather3A_275 {strides = array<i32>} : memref<32768xf32, #tpu.memory_space<vmem>>, vector<16xf32>,
      %broadcast_in_dim3A_282 = arith.constant 4095 : i32
      %broadcast_in_dim3A_283 = vector.broadcast %broadcast_in_dim3A_282 : i32 to vector<16xi32>
      %sub3A_284 = arith.subi %broadcast_in_dim3A_283, %add3A : vector<16xi32>
      %jit3A_285 = arith.constant 0 : i32
      %jit3A_286 = arith.constant 4094 : i32
      %max3A_287 = vector.broadcast %jit3A_285 : i32 to vector<16xi32>
      %max3A_288 = arith.maxsi %max3A_287, %sub3A_284 : vector<16xi32>
      %min3A_289 = vector.broadcast %jit3A_286 : i32 to vector<16xi32>
      %min3A_290 = arith.minsi %min3A_289, %max3A_288 : vector<16xi32>
      %mul3A_291 = arith.constant 16 : i32
      %mul3A_292 = vector.broadcast %mul3A_291 : i32 to vector<16xi32>
      %mul3A_293 = arith.muli %min3A_290, %mul3A_292 : vector<16xi32>
      %add3A_294 = arith.addi %mul3A_293, %broadcast_in_dim3A : vector<16xi32>
      %gather3A_295 = tpu.vector_load_idx %arg4[%add3A_294] : memref<65520xf32, #tpu.memory_space<vmem>>[vector<16xi32>], vector<16xf32>,
      %mul3A_296 = arith.constant 16 : i32
      %mul3A_297 = arith.muli %scan3A_143, %mul3A_296 : i32
      %add3A_298 = arith.constant 28672 : i32
      %add3A_299 = arith.addi %add3A_298, %mul3A_297 : i32
      %swap3A_300 = arith.index_cast %add3A_299 : i32 to index
      %swap3A_301 = tpu.vector_load %arg5[%swap3A_300] {strides = array<i32>} : memref<32768xf32, #tpu.memory_space<vmem>>, vector<16xf32>,
      tpu.vector_store %arg5[%swap3A_300], %gather3A_295 {strides = array<i32>} : memref<32768xf32, #tpu.memory_space<vmem>>, vector<16xf32>,
      %scan3A_302 = arith.constant 0 : i32
      scf.yield %scan3A_302 : i32
    }
    %scan3A_5 = arith.constant 256 : i32
    %mul3A = arith.constant 1024 : i32
    %mul3A_6 = arith.muli %arg0, %mul3A : i32
    %mul3A_7 = arith.constant 4194304 : i32
    %mul3A_8 = arith.muli %arg1, %mul3A_7 : i32
    %scan3A_9 = arith.constant 0 : i32
    %scan3A_10 = arith.constant 0 : i32
    %scan3A_11 = arith.constant 64 : i32
    %scan3A_12 = arith.addi %scan3A_10, %scan3A_11 : i32
    %scan3A_13 = arith.constant 1 : i32
    %scan3A_14 = scf.for %scan3A_143 = %scan3A_10 to %scan3A_12 step %scan3A_13 iter_args(%scan3A_144 = %scan3A_9) -> (i32)  : i32 {
      %mul3A_145 = arith.constant 16 : i32
      %mul3A_146 = arith.muli %scan3A_143, %mul3A_145 : i32
      %add3A = arith.addi %mul3A_6, %mul3A_146 : i32
      %add3A_147 = arith.constant 0 : i32
      %add3A_148 = arith.addi %add3A, %add3A_147 : i32
      %sub3A = arith.constant 2047 : i32
      %sub3A_149 = arith.subi %sub3A, %add3A_148 : i32
      %and3A = arith.constant 7 : i32
      %and3A_150 = arith.andi %sub3A_149, %and3A : i32
      %add3A_151 = arith.constant 7 : i32
      %add3A_152 = arith.addi %sub3A_149, %add3A_151 : i32
      %and3A_153 = arith.constant -8 : i32
      %and3A_154 = arith.andi %add3A_152, %and3A_153 : i32
      %mul3A_155 = arith.constant 4096 : i32
      %mul3A_156 = arith.muli %and3A_150, %mul3A_155 : i32
      %add3A_157 = arith.addi %mul3A_156, %and3A_154 : i32
      %multiple_of3A = tpu.assume_multiple %add3A_157, 8 : i32
      %mul3A_158 = arith.constant 2048 : i32
      %mul3A_159 = arith.muli %add3A_148, %mul3A_158 : i32
      %add3A_160 = arith.addi %mul3A_8, %mul3A_159 : i32
      %multiple_of3A_161 = tpu.assume_multiple %add3A_160, 2048 : i32
      %dma_start3A = tpu.memref_slice %arg5[%multiple_of3A] : memref<32768xf32, #tpu.memory_space<vmem>> -> memref<2048xf32, #tpu.memory_space<vmem>>
      %dma_start3A_162 = tpu.memref_slice %arg3[%multiple_of3A_161] : memref<67108864xf32, #tpu.memory_space<hbm>> -> memref<2048xf32, #tpu.memory_space<hbm>>
      %dma_start3A_163 = tpu.memref_slice %arg3[%multiple_of3A_161] : memref<67108864xf32, #tpu.memory_space<hbm>> -> memref<2048xf32, #tpu.memory_space<hbm>>
      %dma_start3A_164 = tpu.memref_slice %arg5[%multiple_of3A] : memref<32768xf32, #tpu.memory_space<vmem>> -> memref<2048xf32, #tpu.memory_space<vmem>>
      tpu.enqueue_dma source(%dma_start3A_164 : memref<2048xf32, #tpu.memory_space<vmem>>) target(%dma_start3A_163 : memref<2048xf32, #tpu.memory_space<hbm>>) target_semaphore(%arg6 : memref<!tpu.dma_semaphore, #tpu.memory_space<semaphore_mem>>)
      %mul3A_165 = arith.constant 16 : i32
      %mul3A_166 = arith.muli %scan3A_143, %mul3A_165 : i32
      %add3A_167 = arith.addi %mul3A_6, %mul3A_166 : i32
      %add3A_168 = arith.constant 1 : i32
      %add3A_169 = arith.addi %add3A_167, %add3A_168 : i32
      %sub3A_170 = arith.constant 2047 : i32
      %sub3A_171 = arith.subi %sub3A_170, %add3A_169 : i32
      %and3A_172 = arith.constant 7 : i32
      %and3A_173 = arith.andi %sub3A_171, %and3A_172 : i32
      %add3A_174 = arith.constant 7 : i32
      %add3A_175 = arith.addi %sub3A_171, %add3A_174 : i32
      %and3A_176 = arith.constant -8 : i32
      %and3A_177 = arith.andi %add3A_175, %and3A_176 : i32
      %mul3A_178 = arith.constant 4096 : i32
      %mul3A_179 = arith.muli %and3A_173, %mul3A_178 : i32
      %add3A_180 = arith.addi %mul3A_179, %and3A_177 : i32
      %multiple_of3A_181 = tpu.assume_multiple %add3A_180, 8 : i32
      %mul3A_182 = arith.constant 2048 : i32
      %mul3A_183 = arith.muli %add3A_169, %mul3A_182 : i32
      %add3A_184 = arith.addi %mul3A_8, %mul3A_183 : i32
      %multiple_of3A_185 = tpu.assume_multiple %add3A_184, 2048 : i32
      %dma_start3A_186 = tpu.memref_slice %arg5[%multiple_of3A_181] : memref<32768xf32, #tpu.memory_space<vmem>> -> memref<2048xf32, #tpu.memory_space<vmem>>
      %dma_start3A_187 = tpu.memref_slice %arg3[%multiple_of3A_185] : memref<67108864xf32, #tpu.memory_space<hbm>> -> memref<2048xf32, #tpu.memory_space<hbm>>
      %dma_start3A_188 = tpu.memref_slice %arg3[%multiple_of3A_185] : memref<67108864xf32, #tpu.memory_space<hbm>> -> memref<2048xf32, #tpu.memory_space<hbm>>
      %dma_start3A_189 = tpu.memref_slice %arg5[%multiple_of3A_181] : memref<32768xf32, #tpu.memory_space<vmem>> -> memref<2048xf32, #tpu.memory_space<vmem>>
      tpu.enqueue_dma source(%dma_start3A_189 : memref<2048xf32, #tpu.memory_space<vmem>>) target(%dma_start3A_188 : memref<2048xf32, #tpu.memory_space<hbm>>) target_semaphore(%arg6 : memref<!tpu.dma_semaphore, #tpu.memory_space<semaphore_mem>>)
      %mul3A_190 = arith.constant 16 : i32
      %mul3A_191 = arith.muli %scan3A_143, %mul3A_190 : i32
      %add3A_192 = arith.addi %mul3A_6, %mul3A_191 : i32
      %add3A_193 = arith.constant 2 : i32
      %add3A_194 = arith.addi %add3A_192, %add3A_193 : i32
      %sub3A_195 = arith.constant 2047 : i32
      %sub3A_196 = arith.subi %sub3A_195, %add3A_194 : i32
      %and3A_197 = arith.constant 7 : i32
      %and3A_198 = arith.andi %sub3A_196, %and3A_197 : i32
      %add3A_199 = arith.constant 7 : i32
      %add3A_200 = arith.addi %sub3A_196, %add3A_199 : i32
      %and3A_201 = arith.constant -8 : i32
      %and3A_202 = arith.andi %add3A_200, %and3A_201 : i32
      %mul3A_203 = arith.constant 4096 : i32
      %mul3A_204 = arith.muli %and3A_198, %mul3A_203 : i32
      %add3A_205 = arith.addi %mul3A_204, %and3A_202 : i32
      %multiple_of3A_206 = tpu.assume_multiple %add3A_205, 8 : i32
      %mul3A_207 = arith.constant 2048 : i32
      %mul3A_208 = arith.muli %add3A_194, %mul3A_207 : i32
      %add3A_209 = arith.addi %mul3A_8, %mul3A_208 : i32
      %multiple_of3A_210 = tpu.assume_multiple %add3A_209, 2048 : i32
      %dma_start3A_211 = tpu.memref_slice %arg5[%multiple_of3A_206] : memref<32768xf32, #tpu.memory_space<vmem>> -> memref<2048xf32, #tpu.memory_space<vmem>>
      %dma_start3A_212 = tpu.memref_slice %arg3[%multiple_of3A_210] : memref<67108864xf32, #tpu.memory_space<hbm>> -> memref<2048xf32, #tpu.memory_space<hbm>>
      %dma_start3A_213 = tpu.memref_slice %arg3[%multiple_of3A_210] : memref<67108864xf32, #tpu.memory_space<hbm>> -> memref<2048xf32, #tpu.memory_space<hbm>>
      %dma_start3A_214 = tpu.memref_slice %arg5[%multiple_of3A_206] : memref<32768xf32, #tpu.memory_space<vmem>> -> memref<2048xf32, #tpu.memory_space<vmem>>
      tpu.enqueue_dma source(%dma_start3A_214 : memref<2048xf32, #tpu.memory_space<vmem>>) target(%dma_start3A_213 : memref<2048xf32, #tpu.memory_space<hbm>>) target_semaphore(%arg6 : memref<!tpu.dma_semaphore, #tpu.memory_space<semaphore_mem>>)
      %mul3A_215 = arith.constant 16 : i32
      %mul3A_216 = arith.muli %scan3A_143, %mul3A_215 : i32
      %add3A_217 = arith.addi %mul3A_6, %mul3A_216 : i32
      %add3A_218 = arith.constant 3 : i32
      %add3A_219 = arith.addi %add3A_217, %add3A_218 : i32
      %sub3A_220 = arith.constant 2047 : i32
      %sub3A_221 = arith.subi %sub3A_220, %add3A_219 : i32
      %and3A_222 = arith.constant 7 : i32
      %and3A_223 = arith.andi %sub3A_221, %and3A_222 : i32
      %add3A_224 = arith.constant 7 : i32
      %add3A_225 = arith.addi %sub3A_221, %add3A_224 : i32
      %and3A_226 = arith.constant -8 : i32
      %and3A_227 = arith.andi %add3A_225, %and3A_226 : i32
      %mul3A_228 = arith.constant 4096 : i32
      %mul3A_229 = arith.muli %and3A_223, %mul3A_228 : i32
      %add3A_230 = arith.addi %mul3A_229, %and3A_227 : i32
      %multiple_of3A_231 = tpu.assume_multiple %add3A_230, 8 : i32
      %mul3A_232 = arith.constant 2048 : i32
      %mul3A_233 = arith.muli %add3A_219, %mul3A_232 : i32
      %add3A_234 = arith.addi %mul3A_8, %mul3A_233 : i32
      %multiple_of3A_235 = tpu.assume_multiple %add3A_234, 2048 : i32
      %dma_start3A_236 = tpu.memref_slice %arg5[%multiple_of3A_231] : memref<32768xf32, #tpu.memory_space<vmem>> -> memref<2048xf32, #tpu.memory_space<vmem>>
      %dma_start3A_237 = tpu.memref_slice %arg3[%multiple_of3A_235] : memref<67108864xf32, #tpu.memory_space<hbm>> -> memref<2048xf32, #tpu.memory_space<hbm>>
      %dma_start3A_238 = tpu.memref_slice %arg3[%multiple_of3A_235] : memref<67108864xf32, #tpu.memory_space<hbm>> -> memref<2048xf32, #tpu.memory_space<hbm>>
      %dma_start3A_239 = tpu.memref_slice %arg5[%multiple_of3A_231] : memref<32768xf32, #tpu.memory_space<vmem>> -> memref<2048xf32, #tpu.memory_space<vmem>>
      tpu.enqueue_dma source(%dma_start3A_239 : memref<2048xf32, #tpu.memory_space<vmem>>) target(%dma_start3A_238 : memref<2048xf32, #tpu.memory_space<hbm>>) target_semaphore(%arg6 : memref<!tpu.dma_semaphore, #tpu.memory_space<semaphore_mem>>)
      %mul3A_240 = arith.constant 16 : i32
      %mul3A_241 = arith.muli %scan3A_143, %mul3A_240 : i32
      %add3A_242 = arith.addi %mul3A_6, %mul3A_241 : i32
      %add3A_243 = arith.constant 4 : i32
      %add3A_244 = arith.addi %add3A_242, %add3A_243 : i32
      %sub3A_245 = arith.constant 2047 : i32
      %sub3A_246 = arith.subi %sub3A_245, %add3A_244 : i32
      %and3A_247 = arith.constant 7 : i32
      %and3A_248 = arith.andi %sub3A_246, %and3A_247 : i32
      %add3A_249 = arith.constant 7 : i32
      %add3A_250 = arith.addi %sub3A_246, %add3A_249 : i32
      %and3A_251 = arith.constant -8 : i32
      %and3A_252 = arith.andi %add3A_250, %and3A_251 : i32
      %mul3A_253 = arith.constant 4096 : i32
      %mul3A_254 = arith.muli %and3A_248, %mul3A_253 : i32
      %add3A_255 = arith.addi %mul3A_254, %and3A_252 : i32
      %multiple_of3A_256 = tpu.assume_multiple %add3A_255, 8 : i32
      %mul3A_257 = arith.constant 2048 : i32
      %mul3A_258 = arith.muli %add3A_244, %mul3A_257 : i32
      %add3A_259 = arith.addi %mul3A_8, %mul3A_258 : i32
      %multiple_of3A_260 = tpu.assume_multiple %add3A_259, 2048 : i32
      %dma_start3A_261 = tpu.memref_slice %arg5[%multiple_of3A_256] : memref<32768xf32, #tpu.memory_space<vmem>> -> memref<2048xf32, #tpu.memory_space<vmem>>
      %dma_start3A_262 = tpu.memref_slice %arg3[%multiple_of3A_260] : memref<67108864xf32, #tpu.memory_space<hbm>> -> memref<2048xf32, #tpu.memory_space<hbm>>
      %dma_start3A_263 = tpu.memref_slice %arg3[%multiple_of3A_260] : memref<67108864xf32, #tpu.memory_space<hbm>> -> memref<2048xf32, #tpu.memory_space<hbm>>
      %dma_start3A_264 = tpu.memref_slice %arg5[%multiple_of3A_256] : memref<32768xf32, #tpu.memory_space<vmem>> -> memref<2048xf32, #tpu.memory_space<vmem>>
      tpu.enqueue_dma source(%dma_start3A_264 : memref<2048xf32, #tpu.memory_space<vmem>>) target(%dma_start3A_263 : memref<2048xf32, #tpu.memory_space<hbm>>) target_semaphore(%arg6 : memref<!tpu.dma_semaphore, #tpu.memory_space<semaphore_mem>>)
      %mul3A_265 = arith.constant 16 : i32
      %mul3A_266 = arith.muli %scan3A_143, %mul3A_265 : i32
      %add3A_267 = arith.addi %mul3A_6, %mul3A_266 : i32
      %add3A_268 = arith.constant 5 : i32
      %add3A_269 = arith.addi %add3A_267, %add3A_268 : i32
      %sub3A_270 = arith.constant 2047 : i32
      %sub3A_271 = arith.subi %sub3A_270, %add3A_269 : i32
      %and3A_272 = arith.constant 7 : i32
      %and3A_273 = arith.andi %sub3A_271, %and3A_272 : i32
      %add3A_274 = arith.constant 7 : i32
      %add3A_275 = arith.addi %sub3A_271, %add3A_274 : i32
      %and3A_276 = arith.constant -8 : i32
      %and3A_277 = arith.andi %add3A_275, %and3A_276 : i32
      %mul3A_278 = arith.constant 4096 : i32
      %mul3A_279 = arith.muli %and3A_273, %mul3A_278 : i32
      %add3A_280 = arith.addi %mul3A_279, %and3A_277 : i32
      %multiple_of3A_281 = tpu.assume_multiple %add3A_280, 8 : i32
      %mul3A_282 = arith.constant 2048 : i32
      %mul3A_283 = arith.muli %add3A_269, %mul3A_282 : i32
      %add3A_284 = arith.addi %mul3A_8, %mul3A_283 : i32
      %multiple_of3A_285 = tpu.assume_multiple %add3A_284, 2048 : i32
      %dma_start3A_286 = tpu.memref_slice %arg5[%multiple_of3A_281] : memref<32768xf32, #tpu.memory_space<vmem>> -> memref<2048xf32, #tpu.memory_space<vmem>>
      %dma_start3A_287 = tpu.memref_slice %arg3[%multiple_of3A_285] : memref<67108864xf32, #tpu.memory_space<hbm>> -> memref<2048xf32, #tpu.memory_space<hbm>>
      %dma_start3A_288 = tpu.memref_slice %arg3[%multiple_of3A_285] : memref<67108864xf32, #tpu.memory_space<hbm>> -> memref<2048xf32, #tpu.memory_space<hbm>>
      %dma_start3A_289 = tpu.memref_slice %arg5[%multiple_of3A_281] : memref<32768xf32, #tpu.memory_space<vmem>> -> memref<2048xf32, #tpu.memory_space<vmem>>
      tpu.enqueue_dma source(%dma_start3A_289 : memref<2048xf32, #tpu.memory_space<vmem>>) target(%dma_start3A_288 : memref<2048xf32, #tpu.memory_space<hbm>>) target_semaphore(%arg6 : memref<!tpu.dma_semaphore, #tpu.memory_space<semaphore_mem>>)
      %mul3A_290 = arith.constant 16 : i32
      %mul3A_291 = arith.muli %scan3A_143, %mul3A_290 : i32
      %add3A_292 = arith.addi %mul3A_6, %mul3A_291 : i32
      %add3A_293 = arith.constant 6 : i32
      %add3A_294 = arith.addi %add3A_292, %add3A_293 : i32
      %sub3A_295 = arith.constant 2047 : i32
      %sub3A_296 = arith.subi %sub3A_295, %add3A_294 : i32
      %and3A_297 = arith.constant 7 : i32
      %and3A_298 = arith.andi %sub3A_296, %and3A_297 : i32
      %add3A_299 = arith.constant 7 : i32
      %add3A_300 = arith.addi %sub3A_296, %add3A_299 : i32
      %and3A_301 = arith.constant -8 : i32
      %and3A_302 = arith.andi %add3A_300, %and3A_301 : i32
      %mul3A_303 = arith.constant 4096 : i32
      %mul3A_304 = arith.muli %and3A_298, %mul3A_303 : i32
      %add3A_305 = arith.addi %mul3A_304, %and3A_302 : i32
      %multiple_of3A_306 = tpu.assume_multiple %add3A_305, 8 : i32
      %mul3A_307 = arith.constant 2048 : i32
      %mul3A_308 = arith.muli %add3A_294, %mul3A_307 : i32
      %add3A_309 = arith.addi %mul3A_8, %mul3A_308 : i32
      %multiple_of3A_310 = tpu.assume_multiple %add3A_309, 2048 : i32
      %dma_start3A_311 = tpu.memref_slice %arg5[%multiple_of3A_306] : memref<32768xf32, #tpu.memory_space<vmem>> -> memref<2048xf32, #tpu.memory_space<vmem>>
      %dma_start3A_312 = tpu.memref_slice %arg3[%multiple_of3A_310] : memref<67108864xf32, #tpu.memory_space<hbm>> -> memref<2048xf32, #tpu.memory_space<hbm>>
      %dma_start3A_313 = tpu.memref_slice %arg3[%multiple_of3A_310] : memref<67108864xf32, #tpu.memory_space<hbm>> -> memref<2048xf32, #tpu.memory_space<hbm>>
      %dma_start3A_314 = tpu.memref_slice %arg5[%multiple_of3A_306] : memref<32768xf32, #tpu.memory_space<vmem>> -> memref<2048xf32, #tpu.memory_space<vmem>>
      tpu.enqueue_dma source(%dma_start3A_314 : memref<2048xf32, #tpu.memory_space<vmem>>) target(%dma_start3A_313 : memref<2048xf32, #tpu.memory_space<hbm>>) target_semaphore(%arg6 : memref<!tpu.dma_semaphore, #tpu.memory_space<semaphore_mem>>)
      %mul3A_315 = arith.constant 16 : i32
      %mul3A_316 = arith.muli %scan3A_143, %mul3A_315 : i32
      %add3A_317 = arith.addi %mul3A_6, %mul3A_316 : i32
      %add3A_318 = arith.constant 7 : i32
      %add3A_319 = arith.addi %add3A_317, %add3A_318 : i32
      %sub3A_320 = arith.constant 2047 : i32
      %sub3A_321 = arith.subi %sub3A_320, %add3A_319 : i32
      %and3A_322 = arith.constant 7 : i32
      %and3A_323 = arith.andi %sub3A_321, %and3A_322 : i32
      %add3A_324 = arith.constant 7 : i32
      %add3A_325 = arith.addi %sub3A_321, %add3A_324 : i32
      %and3A_326 = arith.constant -8 : i32
      %and3A_327 = arith.andi %add3A_325, %and3A_326 : i32
      %mul3A_328 = arith.constant 4096 : i32
      %mul3A_329 = arith.muli %and3A_323, %mul3A_328 : i32
      %add3A_330 = arith.addi %mul3A_329, %and3A_327 : i32
      %multiple_of3A_331 = tpu.assume_multiple %add3A_330, 8 : i32
      %mul3A_332 = arith.constant 2048 : i32
      %mul3A_333 = arith.muli %add3A_319, %mul3A_332 : i32
      %add3A_334 = arith.addi %mul3A_8, %mul3A_333 : i32
      %multiple_of3A_335 = tpu.assume_multiple %add3A_334, 2048 : i32
      %dma_start3A_336 = tpu.memref_slice %arg5[%multiple_of3A_331] : memref<32768xf32, #tpu.memory_space<vmem>> -> memref<2048xf32, #tpu.memory_space<vmem>>
      %dma_start3A_337 = tpu.memref_slice %arg3[%multiple_of3A_335] : memref<67108864xf32, #tpu.memory_space<hbm>> -> memref<2048xf32, #tpu.memory_space<hbm>>
      %dma_start3A_338 = tpu.memref_slice %arg3[%multiple_of3A_335] : memref<67108864xf32, #tpu.memory_space<hbm>> -> memref<2048xf32, #tpu.memory_space<hbm>>
      %dma_start3A_339 = tpu.memref_slice %arg5[%multiple_of3A_331] : memref<32768xf32, #tpu.memory_space<vmem>> -> memref<2048xf32, #tpu.memory_space<vmem>>
      tpu.enqueue_dma source(%dma_start3A_339 : memref<2048xf32, #tpu.memory_space<vmem>>) target(%dma_start3A_338 : memref<2048xf32, #tpu.memory_space<hbm>>) target_semaphore(%arg6 : memref<!tpu.dma_semaphore, #tpu.memory_space<semaphore_mem>>)
      %mul3A_340 = arith.constant 16 : i32
      %mul3A_341 = arith.muli %scan3A_143, %mul3A_340 : i32
      %add3A_342 = arith.addi %mul3A_6, %mul3A_341 : i32
      %add3A_343 = arith.constant 8 : i32
      %add3A_344 = arith.addi %add3A_342, %add3A_343 : i32
      %sub3A_345 = arith.constant 2047 : i32
      %sub3A_346 = arith.subi %sub3A_345, %add3A_344 : i32
      %and3A_347 = arith.constant 7 : i32
      %and3A_348 = arith.andi %sub3A_346, %and3A_347 : i32
      %add3A_349 = arith.constant 7 : i32
      %add3A_350 = arith.addi %sub3A_346, %add3A_349 : i32
      %and3A_351 = arith.constant -8 : i32
      %and3A_352 = arith.andi %add3A_350, %and3A_351 : i32
      %mul3A_353 = arith.constant 4096 : i32
      %mul3A_354 = arith.muli %and3A_348, %mul3A_353 : i32
      %add3A_355 = arith.addi %mul3A_354, %and3A_352 : i32
      %multiple_of3A_356 = tpu.assume_multiple %add3A_355, 8 : i32
      %mul3A_357 = arith.constant 2048 : i32
      %mul3A_358 = arith.muli %add3A_344, %mul3A_357 : i32
      %add3A_359 = arith.addi %mul3A_8, %mul3A_358 : i32
      %multiple_of3A_360 = tpu.assume_multiple %add3A_359, 2048 : i32
      %dma_start3A_361 = tpu.memref_slice %arg5[%multiple_of3A_356] : memref<32768xf32, #tpu.memory_space<vmem>> -> memref<2048xf32, #tpu.memory_space<vmem>>
      %dma_start3A_362 = tpu.memref_slice %arg3[%multiple_of3A_360] : memref<67108864xf32, #tpu.memory_space<hbm>> -> memref<2048xf32, #tpu.memory_space<hbm>>
      %dma_start3A_363 = tpu.memref_slice %arg3[%multiple_of3A_360] : memref<67108864xf32, #tpu.memory_space<hbm>> -> memref<2048xf32, #tpu.memory_space<hbm>>
      %dma_start3A_364 = tpu.memref_slice %arg5[%multiple_of3A_356] : memref<32768xf32, #tpu.memory_space<vmem>> -> memref<2048xf32, #tpu.memory_space<vmem>>
      tpu.enqueue_dma source(%dma_start3A_364 : memref<2048xf32, #tpu.memory_space<vmem>>) target(%dma_start3A_363 : memref<2048xf32, #tpu.memory_space<hbm>>) target_semaphore(%arg6 : memref<!tpu.dma_semaphore, #tpu.memory_space<semaphore_mem>>)
      %mul3A_365 = arith.constant 16 : i32
      %mul3A_366 = arith.muli %scan3A_143, %mul3A_365 : i32
      %add3A_367 = arith.addi %mul3A_6, %mul3A_366 : i32
      %add3A_368 = arith.constant 9 : i32
      %add3A_369 = arith.addi %add3A_367, %add3A_368 : i32
      %sub3A_370 = arith.constant 2047 : i32
      %sub3A_371 = arith.subi %sub3A_370, %add3A_369 : i32
      %and3A_372 = arith.constant 7 : i32
      %and3A_373 = arith.andi %sub3A_371, %and3A_372 : i32
      %add3A_374 = arith.constant 7 : i32
      %add3A_375 = arith.addi %sub3A_371, %add3A_374 : i32
      %and3A_376 = arith.constant -8 : i32
      %and3A_377 = arith.andi %add3A_375, %and3A_376 : i32
      %mul3A_378 = arith.constant 4096 : i32
      %mul3A_379 = arith.muli %and3A_373, %mul3A_378 : i32
      %add3A_380 = arith.addi %mul3A_379, %and3A_377 : i32
      %multiple_of3A_381 = tpu.assume_multiple %add3A_380, 8 : i32
      %mul3A_382 = arith.constant 2048 : i32
      %mul3A_383 = arith.muli %add3A_369, %mul3A_382 : i32
      %add3A_384 = arith.addi %mul3A_8, %mul3A_383 : i32
      %multiple_of3A_385 = tpu.assume_multiple %add3A_384, 2048 : i32
      %dma_start3A_386 = tpu.memref_slice %arg5[%multiple_of3A_381] : memref<32768xf32, #tpu.memory_space<vmem>> -> memref<2048xf32, #tpu.memory_space<vmem>>
      %dma_start3A_387 = tpu.memref_slice %arg3[%multiple_of3A_385] : memref<67108864xf32, #tpu.memory_space<hbm>> -> memref<2048xf32, #tpu.memory_space<hbm>>
      %dma_start3A_388 = tpu.memref_slice %arg3[%multiple_of3A_385] : memref<67108864xf32, #tpu.memory_space<hbm>> -> memref<2048xf32, #tpu.memory_space<hbm>>
      %dma_start3A_389 = tpu.memref_slice %arg5[%multiple_of3A_381] : memref<32768xf32, #tpu.memory_space<vmem>> -> memref<2048xf32, #tpu.memory_space<vmem>>
      tpu.enqueue_dma source(%dma_start3A_389 : memref<2048xf32, #tpu.memory_space<vmem>>) target(%dma_start3A_388 : memref<2048xf32, #tpu.memory_space<hbm>>) target_semaphore(%arg6 : memref<!tpu.dma_semaphore, #tpu.memory_space<semaphore_mem>>)
      %mul3A_390 = arith.constant 16 : i32
      %mul3A_391 = arith.muli %scan3A_143, %mul3A_390 : i32
      %add3A_392 = arith.addi %mul3A_6, %mul3A_391 : i32
      %add3A_393 = arith.constant 10 : i32
      %add3A_394 = arith.addi %add3A_392, %add3A_393 : i32
      %sub3A_395 = arith.constant 2047 : i32
      %sub3A_396 = arith.subi %sub3A_395, %add3A_394 : i32
      %and3A_397 = arith.constant 7 : i32
      %and3A_398 = arith.andi %sub3A_396, %and3A_397 : i32
      %add3A_399 = arith.constant 7 : i32
      %add3A_400 = arith.addi %sub3A_396, %add3A_399 : i32
      %and3A_401 = arith.constant -8 : i32
      %and3A_402 = arith.andi %add3A_400, %and3A_401 : i32
      %mul3A_403 = arith.constant 4096 : i32
      %mul3A_404 = arith.muli %and3A_398, %mul3A_403 : i32
      %add3A_405 = arith.addi %mul3A_404, %and3A_402 : i32
      %multiple_of3A_406 = tpu.assume_multiple %add3A_405, 8 : i32
      %mul3A_407 = arith.constant 2048 : i32
      %mul3A_408 = arith.muli %add3A_394, %mul3A_407 : i32
      %add3A_409 = arith.addi %mul3A_8, %mul3A_408 : i32
      %multiple_of3A_410 = tpu.assume_multiple %add3A_409, 2048 : i32
      %dma_start3A_411 = tpu.memref_slice %arg5[%multiple_of3A_406] : memref<32768xf32, #tpu.memory_space<vmem>> -> memref<2048xf32, #tpu.memory_space<vmem>>
      %dma_start3A_412 = tpu.memref_slice %arg3[%multiple_of3A_410] : memref<67108864xf32, #tpu.memory_space<hbm>> -> memref<2048xf32, #tpu.memory_space<hbm>>
      %dma_start3A_413 = tpu.memref_slice %arg3[%multiple_of3A_410] : memref<67108864xf32, #tpu.memory_space<hbm>> -> memref<2048xf32, #tpu.memory_space<hbm>>
      %dma_start3A_414 = tpu.memref_slice %arg5[%multiple_of3A_406] : memref<32768xf32, #tpu.memory_space<vmem>> -> memref<2048xf32, #tpu.memory_space<vmem>>
      tpu.enqueue_dma source(%dma_start3A_414 : memref<2048xf32, #tpu.memory_space<vmem>>) target(%dma_start3A_413 : memref<2048xf32, #tpu.memory_space<hbm>>) target_semaphore(%arg6 : memref<!tpu.dma_semaphore, #tpu.memory_space<semaphore_mem>>)
      %mul3A_415 = arith.constant 16 : i32
      %mul3A_416 = arith.muli %scan3A_143, %mul3A_415 : i32
      %add3A_417 = arith.addi %mul3A_6, %mul3A_416 : i32
      %add3A_418 = arith.constant 11 : i32
      %add3A_419 = arith.addi %add3A_417, %add3A_418 : i32
      %sub3A_420 = arith.constant 2047 : i32
      %sub3A_421 = arith.subi %sub3A_420, %add3A_419 : i32
      %and3A_422 = arith.constant 7 : i32
      %and3A_423 = arith.andi %sub3A_421, %and3A_422 : i32
      %add3A_424 = arith.constant 7 : i32
      %add3A_425 = arith.addi %sub3A_421, %add3A_424 : i32
      %and3A_426 = arith.constant -8 : i32
      %and3A_427 = arith.andi %add3A_425, %and3A_426 : i32
      %mul3A_428 = arith.constant 4096 : i32
      %mul3A_429 = arith.muli %and3A_423, %mul3A_428 : i32
      %add3A_430 = arith.addi %mul3A_429, %and3A_427 : i32
      %multiple_of3A_431 = tpu.assume_multiple %add3A_430, 8 : i32
      %mul3A_432 = arith.constant 2048 : i32
      %mul3A_433 = arith.muli %add3A_419, %mul3A_432 : i32
      %add3A_434 = arith.addi %mul3A_8, %mul3A_433 : i32
      %multiple_of3A_435 = tpu.assume_multiple %add3A_434, 2048 : i32
      %dma_start3A_436 = tpu.memref_slice %arg5[%multiple_of3A_431] : memref<32768xf32, #tpu.memory_space<vmem>> -> memref<2048xf32, #tpu.memory_space<vmem>>
      %dma_start3A_437 = tpu.memref_slice %arg3[%multiple_of3A_435] : memref<67108864xf32, #tpu.memory_space<hbm>> -> memref<2048xf32, #tpu.memory_space<hbm>>
      %dma_start3A_438 = tpu.memref_slice %arg3[%multiple_of3A_435] : memref<67108864xf32, #tpu.memory_space<hbm>> -> memref<2048xf32, #tpu.memory_space<hbm>>
      %dma_start3A_439 = tpu.memref_slice %arg5[%multiple_of3A_431] : memref<32768xf32, #tpu.memory_space<vmem>> -> memref<2048xf32, #tpu.memory_space<vmem>>
      tpu.enqueue_dma source(%dma_start3A_439 : memref<2048xf32, #tpu.memory_space<vmem>>) target(%dma_start3A_438 : memref<2048xf32, #tpu.memory_space<hbm>>) target_semaphore(%arg6 : memref<!tpu.dma_semaphore, #tpu.memory_space<semaphore_mem>>)
      %mul3A_440 = arith.constant 16 : i32
      %mul3A_441 = arith.muli %scan3A_143, %mul3A_440 : i32
      %add3A_442 = arith.addi %mul3A_6, %mul3A_441 : i32
      %add3A_443 = arith.constant 12 : i32
      %add3A_444 = arith.addi %add3A_442, %add3A_443 : i32
      %sub3A_445 = arith.constant 2047 : i32
      %sub3A_446 = arith.subi %sub3A_445, %add3A_444 : i32
      %and3A_447 = arith.constant 7 : i32
      %and3A_448 = arith.andi %sub3A_446, %and3A_447 : i32
      %add3A_449 = arith.constant 7 : i32
      %add3A_450 = arith.addi %sub3A_446, %add3A_449 : i32
      %and3A_451 = arith.constant -8 : i32
      %and3A_452 = arith.andi %add3A_450, %and3A_451 : i32
      %mul3A_453 = arith.constant 4096 : i32
      %mul3A_454 = arith.muli %and3A_448, %mul3A_453 : i32
      %add3A_455 = arith.addi %mul3A_454, %and3A_452 : i32
      %multiple_of3A_456 = tpu.assume_multiple %add3A_455, 8 : i32
      %mul3A_457 = arith.constant 2048 : i32
      %mul3A_458 = arith.muli %add3A_444, %mul3A_457 : i32
      %add3A_459 = arith.addi %mul3A_8, %mul3A_458 : i32
      %multiple_of3A_460 = tpu.assume_multiple %add3A_459, 2048 : i32
      %dma_start3A_461 = tpu.memref_slice %arg5[%multiple_of3A_456] : memref<32768xf32, #tpu.memory_space<vmem>> -> memref<2048xf32, #tpu.memory_space<vmem>>
      %dma_start3A_462 = tpu.memref_slice %arg3[%multiple_of3A_460] : memref<67108864xf32, #tpu.memory_space<hbm>> -> memref<2048xf32, #tpu.memory_space<hbm>>
      %dma_start3A_463 = tpu.memref_slice %arg3[%multiple_of3A_460] : memref<67108864xf32, #tpu.memory_space<hbm>> -> memref<2048xf32, #tpu.memory_space<hbm>>
      %dma_start3A_464 = tpu.memref_slice %arg5[%multiple_of3A_456] : memref<32768xf32, #tpu.memory_space<vmem>> -> memref<2048xf32, #tpu.memory_space<vmem>>
      tpu.enqueue_dma source(%dma_start3A_464 : memref<2048xf32, #tpu.memory_space<vmem>>) target(%dma_start3A_463 : memref<2048xf32, #tpu.memory_space<hbm>>) target_semaphore(%arg6 : memref<!tpu.dma_semaphore, #tpu.memory_space<semaphore_mem>>)
      %mul3A_465 = arith.constant 16 : i32
      %mul3A_466 = arith.muli %scan3A_143, %mul3A_465 : i32
      %add3A_467 = arith.addi %mul3A_6, %mul3A_466 : i32
      %add3A_468 = arith.constant 13 : i32
      %add3A_469 = arith.addi %add3A_467, %add3A_468 : i32
      %sub3A_470 = arith.constant 2047 : i32
      %sub3A_471 = arith.subi %sub3A_470, %add3A_469 : i32
      %and3A_472 = arith.constant 7 : i32
      %and3A_473 = arith.andi %sub3A_471, %and3A_472 : i32
      %add3A_474 = arith.constant 7 : i32
      %add3A_475 = arith.addi %sub3A_471, %add3A_474 : i32
      %and3A_476 = arith.constant -8 : i32
      %and3A_477 = arith.andi %add3A_475, %and3A_476 : i32
      %mul3A_478 = arith.constant 4096 : i32
      %mul3A_479 = arith.muli %and3A_473, %mul3A_478 : i32
      %add3A_480 = arith.addi %mul3A_479, %and3A_477 : i32
      %multiple_of3A_481 = tpu.assume_multiple %add3A_480, 8 : i32
      %mul3A_482 = arith.constant 2048 : i32
      %mul3A_483 = arith.muli %add3A_469, %mul3A_482 : i32
      %add3A_484 = arith.addi %mul3A_8, %mul3A_483 : i32
      %multiple_of3A_485 = tpu.assume_multiple %add3A_484, 2048 : i32
      %dma_start3A_486 = tpu.memref_slice %arg5[%multiple_of3A_481] : memref<32768xf32, #tpu.memory_space<vmem>> -> memref<2048xf32, #tpu.memory_space<vmem>>
      %dma_start3A_487 = tpu.memref_slice %arg3[%multiple_of3A_485] : memref<67108864xf32, #tpu.memory_space<hbm>> -> memref<2048xf32, #tpu.memory_space<hbm>>
      %dma_start3A_488 = tpu.memref_slice %arg3[%multiple_of3A_485] : memref<67108864xf32, #tpu.memory_space<hbm>> -> memref<2048xf32, #tpu.memory_space<hbm>>
      %dma_start3A_489 = tpu.memref_slice %arg5[%multiple_of3A_481] : memref<32768xf32, #tpu.memory_space<vmem>> -> memref<2048xf32, #tpu.memory_space<vmem>>
      tpu.enqueue_dma source(%dma_start3A_489 : memref<2048xf32, #tpu.memory_space<vmem>>) target(%dma_start3A_488 : memref<2048xf32, #tpu.memory_space<hbm>>) target_semaphore(%arg6 : memref<!tpu.dma_semaphore, #tpu.memory_space<semaphore_mem>>)
      %mul3A_490 = arith.constant 16 : i32
      %mul3A_491 = arith.muli %scan3A_143, %mul3A_490 : i32
      %add3A_492 = arith.addi %mul3A_6, %mul3A_491 : i32
      %add3A_493 = arith.constant 14 : i32
      %add3A_494 = arith.addi %add3A_492, %add3A_493 : i32
      %sub3A_495 = arith.constant 2047 : i32
      %sub3A_496 = arith.subi %sub3A_495, %add3A_494 : i32
      %and3A_497 = arith.constant 7 : i32
      %and3A_498 = arith.andi %sub3A_496, %and3A_497 : i32
      %add3A_499 = arith.constant 7 : i32
      %add3A_500 = arith.addi %sub3A_496, %add3A_499 : i32
      %and3A_501 = arith.constant -8 : i32
      %and3A_502 = arith.andi %add3A_500, %and3A_501 : i32
      %mul3A_503 = arith.constant 4096 : i32
      %mul3A_504 = arith.muli %and3A_498, %mul3A_503 : i32
      %add3A_505 = arith.addi %mul3A_504, %and3A_502 : i32
      %multiple_of3A_506 = tpu.assume_multiple %add3A_505, 8 : i32
      %mul3A_507 = arith.constant 2048 : i32
      %mul3A_508 = arith.muli %add3A_494, %mul3A_507 : i32
      %add3A_509 = arith.addi %mul3A_8, %mul3A_508 : i32
      %multiple_of3A_510 = tpu.assume_multiple %add3A_509, 2048 : i32
      %dma_start3A_511 = tpu.memref_slice %arg5[%multiple_of3A_506] : memref<32768xf32, #tpu.memory_space<vmem>> -> memref<2048xf32, #tpu.memory_space<vmem>>
      %dma_start3A_512 = tpu.memref_slice %arg3[%multiple_of3A_510] : memref<67108864xf32, #tpu.memory_space<hbm>> -> memref<2048xf32, #tpu.memory_space<hbm>>
      %dma_start3A_513 = tpu.memref_slice %arg3[%multiple_of3A_510] : memref<67108864xf32, #tpu.memory_space<hbm>> -> memref<2048xf32, #tpu.memory_space<hbm>>
      %dma_start3A_514 = tpu.memref_slice %arg5[%multiple_of3A_506] : memref<32768xf32, #tpu.memory_space<vmem>> -> memref<2048xf32, #tpu.memory_space<vmem>>
      tpu.enqueue_dma source(%dma_start3A_514 : memref<2048xf32, #tpu.memory_space<vmem>>) target(%dma_start3A_513 : memref<2048xf32, #tpu.memory_space<hbm>>) target_semaphore(%arg6 : memref<!tpu.dma_semaphore, #tpu.memory_space<semaphore_mem>>)
      %mul3A_515 = arith.constant 16 : i32
      %mul3A_516 = arith.muli %scan3A_143, %mul3A_515 : i32
      %add3A_517 = arith.addi %mul3A_6, %mul3A_516 : i32
      %add3A_518 = arith.constant 15 : i32
      %add3A_519 = arith.addi %add3A_517, %add3A_518 : i32
      %sub3A_520 = arith.constant 2047 : i32
      %sub3A_521 = arith.subi %sub3A_520, %add3A_519 : i32
      %and3A_522 = arith.constant 7 : i32
      %and3A_523 = arith.andi %sub3A_521, %and3A_522 : i32
      %add3A_524 = arith.constant 7 : i32
      %add3A_525 = arith.addi %sub3A_521, %add3A_524 : i32
      %and3A_526 = arith.constant -8 : i32
      %and3A_527 = arith.andi %add3A_525, %and3A_526 : i32
      %mul3A_528 = arith.constant 4096 : i32
      %mul3A_529 = arith.muli %and3A_523, %mul3A_528 : i32
      %add3A_530 = arith.addi %mul3A_529, %and3A_527 : i32
      %multiple_of3A_531 = tpu.assume_multiple %add3A_530, 8 : i32
      %mul3A_532 = arith.constant 2048 : i32
      %mul3A_533 = arith.muli %add3A_519, %mul3A_532 : i32
      %add3A_534 = arith.addi %mul3A_8, %mul3A_533 : i32
      %multiple_of3A_535 = tpu.assume_multiple %add3A_534, 2048 : i32
      %dma_start3A_536 = tpu.memref_slice %arg5[%multiple_of3A_531] : memref<32768xf32, #tpu.memory_space<vmem>> -> memref<2048xf32, #tpu.memory_space<vmem>>
      %dma_start3A_537 = tpu.memref_slice %arg3[%multiple_of3A_535] : memref<67108864xf32, #tpu.memory_space<hbm>> -> memref<2048xf32, #tpu.memory_space<hbm>>
      %dma_start3A_538 = tpu.memref_slice %arg3[%multiple_of3A_535] : memref<67108864xf32, #tpu.memory_space<hbm>> -> memref<2048xf32, #tpu.memory_space<hbm>>
      %dma_start3A_539 = tpu.memref_slice %arg5[%multiple_of3A_531] : memref<32768xf32, #tpu.memory_space<vmem>> -> memref<2048xf32, #tpu.memory_space<vmem>>
      tpu.enqueue_dma source(%dma_start3A_539 : memref<2048xf32, #tpu.memory_space<vmem>>) target(%dma_start3A_538 : memref<2048xf32, #tpu.memory_space<hbm>>) target_semaphore(%arg6 : memref<!tpu.dma_semaphore, #tpu.memory_space<semaphore_mem>>)
      %gt3A = arith.constant 0 : i32
      %gt3A_540 = arith.cmpi sgt, %scan3A_143, %gt3A : i32
      %convert_element_type3A = arith.extui %gt3A_540 : i1 to i32
      %cond3A = arith.constant 0 : i32
      %cond3A_541 = arith.cmpi ne, %convert_element_type3A, %cond3A : i32
      scf.if %cond3A_541 {
        %dma_wait3A_543 = arith.constant 0 : i32
        %dma_wait3A_544 = tpu.memref_slice %arg5[%dma_wait3A_543] : memref<32768xf32, #tpu.memory_space<vmem>> -> memref<2048xf32, #tpu.memory_space<vmem>>
        %dma_wait3A_545 = arith.constant 0 : i32
        %dma_wait3A_546 = tpu.memref_slice %arg3[%dma_wait3A_545] : memref<67108864xf32, #tpu.memory_space<hbm>> -> memref<2048xf32, #tpu.memory_space<hbm>>
        %dma_wait3A_547 = arith.constant 0 : i32
        %dma_wait3A_548 = tpu.memref_slice %arg3[%dma_wait3A_547] : memref<67108864xf32, #tpu.memory_space<hbm>> -> memref<2048xf32, #tpu.memory_space<hbm>>
        %dma_wait3A_549 = arith.constant 0 : i32
        %dma_wait3A_550 = tpu.memref_slice %arg5[%dma_wait3A_549] : memref<32768xf32, #tpu.memory_space<vmem>> -> memref<2048xf32, #tpu.memory_space<vmem>>
        tpu.wait_dma2 semaphore(%arg6 : memref<!tpu.dma_semaphore, #tpu.memory_space<semaphore_mem>>) src(%dma_wait3A_550 : memref<2048xf32, #tpu.memory_space<vmem>>) dst(%dma_wait3A_548 : memref<2048xf32, #tpu.memory_space<hbm>>)
        %dma_wait3A_551 = arith.constant 0 : i32
        %dma_wait3A_552 = tpu.memref_slice %arg5[%dma_wait3A_551] : memref<32768xf32, #tpu.memory_space<vmem>> -> memref<2048xf32, #tpu.memory_space<vmem>>
        %dma_wait3A_553 = arith.constant 0 : i32
        %dma_wait3A_554 = tpu.memref_slice %arg3[%dma_wait3A_553] : memref<67108864xf32, #tpu.memory_space<hbm>> -> memref<2048xf32, #tpu.memory_space<hbm>>
        %dma_wait3A_555 = arith.constant 0 : i32
        %dma_wait3A_556 = tpu.memref_slice %arg3[%dma_wait3A_555] : memref<67108864xf32, #tpu.memory_space<hbm>> -> memref<2048xf32, #tpu.memory_space<hbm>>
        %dma_wait3A_557 = arith.constant 0 : i32
        %dma_wait3A_558 = tpu.memref_slice %arg5[%dma_wait3A_557] : memref<32768xf32, #tpu.memory_space<vmem>> -> memref<2048xf32, #tpu.memory_space<vmem>>
        tpu.wait_dma2 semaphore(%arg6 : memref<!tpu.dma_semaphore, #tpu.memory_space<semaphore_mem>>) src(%dma_wait3A_558 : memref<2048xf32, #tpu.memory_space<vmem>>) dst(%dma_wait3A_556 : memref<2048xf32, #tpu.memory_space<hbm>>)
        %dma_wait3A_559 = arith.constant 0 : i32
        %dma_wait3A_560 = tpu.memref_slice %arg5[%dma_wait3A_559] : memref<32768xf32, #tpu.memory_space<vmem>> -> memref<2048xf32, #tpu.memory_space<vmem>>
        %dma_wait3A_561 = arith.constant 0 : i32
        %dma_wait3A_562 = tpu.memref_slice %arg3[%dma_wait3A_561] : memref<67108864xf32, #tpu.memory_space<hbm>> -> memref<2048xf32, #tpu.memory_space<hbm>>
        %dma_wait3A_563 = arith.constant 0 : i32
        %dma_wait3A_564 = tpu.memref_slice %arg3[%dma_wait3A_563] : memref<67108864xf32, #tpu.memory_space<hbm>> -> memref<2048xf32, #tpu.memory_space<hbm>>
        %dma_wait3A_565 = arith.constant 0 : i32
        %dma_wait3A_566 = tpu.memref_slice %arg5[%dma_wait3A_565] : memref<32768xf32, #tpu.memory_space<vmem>> -> memref<2048xf32, #tpu.memory_space<vmem>>
        tpu.wait_dma2 semaphore(%arg6 : memref<!tpu.dma_semaphore, #tpu.memory_space<semaphore_mem>>) src(%dma_wait3A_566 : memref<2048xf32, #tpu.memory_space<vmem>>) dst(%dma_wait3A_564 : memref<2048xf32, #tpu.memory_space<hbm>>)
        %dma_wait3A_567 = arith.constant 0 : i32
        %dma_wait3A_568 = tpu.memref_slice %arg5[%dma_wait3A_567] : memref<32768xf32, #tpu.memory_space<vmem>> -> memref<2048xf32, #tpu.memory_space<vmem>>
        %dma_wait3A_569 = arith.constant 0 : i32
        %dma_wait3A_570 = tpu.memref_slice %arg3[%dma_wait3A_569] : memref<67108864xf32, #tpu.memory_space<hbm>> -> memref<2048xf32, #tpu.memory_space<hbm>>
        %dma_wait3A_571 = arith.constant 0 : i32
        %dma_wait3A_572 = tpu.memref_slice %arg3[%dma_wait3A_571] : memref<67108864xf32, #tpu.memory_space<hbm>> -> memref<2048xf32, #tpu.memory_space<hbm>>
        %dma_wait3A_573 = arith.constant 0 : i32
        %dma_wait3A_574 = tpu.memref_slice %arg5[%dma_wait3A_573] : memref<32768xf32, #tpu.memory_space<vmem>> -> memref<2048xf32, #tpu.memory_space<vmem>>
        tpu.wait_dma2 semaphore(%arg6 : memref<!tpu.dma_semaphore, #tpu.memory_space<semaphore_mem>>) src(%dma_wait3A_574 : memref<2048xf32, #tpu.memory_space<vmem>>) dst(%dma_wait3A_572 : memref<2048xf32, #tpu.memory_space<hbm>>)
        %dma_wait3A_575 = arith.constant 0 : i32
        %dma_wait3A_576 = tpu.memref_slice %arg5[%dma_wait3A_575] : memref<32768xf32, #tpu.memory_space<vmem>> -> memref<2048xf32, #tpu.memory_space<vmem>>
        %dma_wait3A_577 = arith.constant 0 : i32
        %dma_wait3A_578 = tpu.memref_slice %arg3[%dma_wait3A_577] : memref<67108864xf32, #tpu.memory_space<hbm>> -> memref<2048xf32, #tpu.memory_space<hbm>>
        %dma_wait3A_579 = arith.constant 0 : i32
        %dma_wait3A_580 = tpu.memref_slice %arg3[%dma_wait3A_579] : memref<67108864xf32, #tpu.memory_space<hbm>> -> memref<2048xf32, #tpu.memory_space<hbm>>
        %dma_wait3A_581 = arith.constant 0 : i32
        %dma_wait3A_582 = tpu.memref_slice %arg5[%dma_wait3A_581] : memref<32768xf32, #tpu.memory_space<vmem>> -> memref<2048xf32, #tpu.memory_space<vmem>>
        tpu.wait_dma2 semaphore(%arg6 : memref<!tpu.dma_semaphore, #tpu.memory_space<semaphore_mem>>) src(%dma_wait3A_582 : memref<2048xf32, #tpu.memory_space<vmem>>) dst(%dma_wait3A_580 : memref<2048xf32, #tpu.memory_space<hbm>>)
        %dma_wait3A_583 = arith.constant 0 : i32
        %dma_wait3A_584 = tpu.memref_slice %arg5[%dma_wait3A_583] : memref<32768xf32, #tpu.memory_space<vmem>> -> memref<2048xf32, #tpu.memory_space<vmem>>
        %dma_wait3A_585 = arith.constant 0 : i32
        %dma_wait3A_586 = tpu.memref_slice %arg3[%dma_wait3A_585] : memref<67108864xf32, #tpu.memory_space<hbm>> -> memref<2048xf32, #tpu.memory_space<hbm>>
        %dma_wait3A_587 = arith.constant 0 : i32
        %dma_wait3A_588 = tpu.memref_slice %arg3[%dma_wait3A_587] : memref<67108864xf32, #tpu.memory_space<hbm>> -> memref<2048xf32, #tpu.memory_space<hbm>>
        %dma_wait3A_589 = arith.constant 0 : i32
        %dma_wait3A_590 = tpu.memref_slice %arg5[%dma_wait3A_589] : memref<32768xf32, #tpu.memory_space<vmem>> -> memref<2048xf32, #tpu.memory_space<vmem>>
        tpu.wait_dma2 semaphore(%arg6 : memref<!tpu.dma_semaphore, #tpu.memory_space<semaphore_mem>>) src(%dma_wait3A_590 : memref<2048xf32, #tpu.memory_space<vmem>>) dst(%dma_wait3A_588 : memref<2048xf32, #tpu.memory_space<hbm>>)
        %dma_wait3A_591 = arith.constant 0 : i32
        %dma_wait3A_592 = tpu.memref_slice %arg5[%dma_wait3A_591] : memref<32768xf32, #tpu.memory_space<vmem>> -> memref<2048xf32, #tpu.memory_space<vmem>>
        %dma_wait3A_593 = arith.constant 0 : i32
        %dma_wait3A_594 = tpu.memref_slice %arg3[%dma_wait3A_593] : memref<67108864xf32, #tpu.memory_space<hbm>> -> memref<2048xf32, #tpu.memory_space<hbm>>
        %dma_wait3A_595 = arith.constant 0 : i32
        %dma_wait3A_596 = tpu.memref_slice %arg3[%dma_wait3A_595] : memref<67108864xf32, #tpu.memory_space<hbm>> -> memref<2048xf32, #tpu.memory_space<hbm>>
        %dma_wait3A_597 = arith.constant 0 : i32
        %dma_wait3A_598 = tpu.memref_slice %arg5[%dma_wait3A_597] : memref<32768xf32, #tpu.memory_space<vmem>> -> memref<2048xf32, #tpu.memory_space<vmem>>
        tpu.wait_dma2 semaphore(%arg6 : memref<!tpu.dma_semaphore, #tpu.memory_space<semaphore_mem>>) src(%dma_wait3A_598 : memref<2048xf32, #tpu.memory_space<vmem>>) dst(%dma_wait3A_596 : memref<2048xf32, #tpu.memory_space<hbm>>)
        %dma_wait3A_599 = arith.constant 0 : i32
        %dma_wait3A_600 = tpu.memref_slice %arg5[%dma_wait3A_599] : memref<32768xf32, #tpu.memory_space<vmem>> -> memref<2048xf32, #tpu.memory_space<vmem>>
        %dma_wait3A_601 = arith.constant 0 : i32
        %dma_wait3A_602 = tpu.memref_slice %arg3[%dma_wait3A_601] : memref<67108864xf32, #tpu.memory_space<hbm>> -> memref<2048xf32, #tpu.memory_space<hbm>>
        %dma_wait3A_603 = arith.constant 0 : i32
        %dma_wait3A_604 = tpu.memref_slice %arg3[%dma_wait3A_603] : memref<67108864xf32, #tpu.memory_space<hbm>> -> memref<2048xf32, #tpu.memory_space<hbm>>
        %dma_wait3A_605 = arith.constant 0 : i32
        %dma_wait3A_606 = tpu.memref_slice %arg5[%dma_wait3A_605] : memref<32768xf32, #tpu.memory_space<vmem>> -> memref<2048xf32, #tpu.memory_space<vmem>>
        tpu.wait_dma2 semaphore(%arg6 : memref<!tpu.dma_semaphore, #tpu.memory_space<semaphore_mem>>) src(%dma_wait3A_606 : memref<2048xf32, #tpu.memory_space<vmem>>) dst(%dma_wait3A_604 : memref<2048xf32, #tpu.memory_space<hbm>>)
        %dma_wait3A_607 = arith.constant 0 : i32
        %dma_wait3A_608 = tpu.memref_slice %arg5[%dma_wait3A_607] : memref<32768xf32, #tpu.memory_space<vmem>> -> memref<2048xf32, #tpu.memory_space<vmem>>
        %dma_wait3A_609 = arith.constant 0 : i32
        %dma_wait3A_610 = tpu.memref_slice %arg3[%dma_wait3A_609] : memref<67108864xf32, #tpu.memory_space<hbm>> -> memref<2048xf32, #tpu.memory_space<hbm>>
        %dma_wait3A_611 = arith.constant 0 : i32
        %dma_wait3A_612 = tpu.memref_slice %arg3[%dma_wait3A_611] : memref<67108864xf32, #tpu.memory_space<hbm>> -> memref<2048xf32, #tpu.memory_space<hbm>>
        %dma_wait3A_613 = arith.constant 0 : i32
        %dma_wait3A_614 = tpu.memref_slice %arg5[%dma_wait3A_613] : memref<32768xf32, #tpu.memory_space<vmem>> -> memref<2048xf32, #tpu.memory_space<vmem>>
        tpu.wait_dma2 semaphore(%arg6 : memref<!tpu.dma_semaphore, #tpu.memory_space<semaphore_mem>>) src(%dma_wait3A_614 : memref<2048xf32, #tpu.memory_space<vmem>>) dst(%dma_wait3A_612 : memref<2048xf32, #tpu.memory_space<hbm>>)
        %dma_wait3A_615 = arith.constant 0 : i32
        %dma_wait3A_616 = tpu.memref_slice %arg5[%dma_wait3A_615] : memref<32768xf32, #tpu.memory_space<vmem>> -> memref<2048xf32, #tpu.memory_space<vmem>>
        %dma_wait3A_617 = arith.constant 0 : i32
        %dma_wait3A_618 = tpu.memref_slice %arg3[%dma_wait3A_617] : memref<67108864xf32, #tpu.memory_space<hbm>> -> memref<2048xf32, #tpu.memory_space<hbm>>
        %dma_wait3A_619 = arith.constant 0 : i32
        %dma_wait3A_620 = tpu.memref_slice %arg3[%dma_wait3A_619] : memref<67108864xf32, #tpu.memory_space<hbm>> -> memref<2048xf32, #tpu.memory_space<hbm>>
        %dma_wait3A_621 = arith.constant 0 : i32
        %dma_wait3A_622 = tpu.memref_slice %arg5[%dma_wait3A_621] : memref<32768xf32, #tpu.memory_space<vmem>> -> memref<2048xf32, #tpu.memory_space<vmem>>
        tpu.wait_dma2 semaphore(%arg6 : memref<!tpu.dma_semaphore, #tpu.memory_space<semaphore_mem>>) src(%dma_wait3A_622 : memref<2048xf32, #tpu.memory_space<vmem>>) dst(%dma_wait3A_620 : memref<2048xf32, #tpu.memory_space<hbm>>)
        %dma_wait3A_623 = arith.constant 0 : i32
        %dma_wait3A_624 = tpu.memref_slice %arg5[%dma_wait3A_623] : memref<32768xf32, #tpu.memory_space<vmem>> -> memref<2048xf32, #tpu.memory_space<vmem>>
        %dma_wait3A_625 = arith.constant 0 : i32
        %dma_wait3A_626 = tpu.memref_slice %arg3[%dma_wait3A_625] : memref<67108864xf32, #tpu.memory_space<hbm>> -> memref<2048xf32, #tpu.memory_space<hbm>>
        %dma_wait3A_627 = arith.constant 0 : i32
        %dma_wait3A_628 = tpu.memref_slice %arg3[%dma_wait3A_627] : memref<67108864xf32, #tpu.memory_space<hbm>> -> memref<2048xf32, #tpu.memory_space<hbm>>
        %dma_wait3A_629 = arith.constant 0 : i32
        %dma_wait3A_630 = tpu.memref_slice %arg5[%dma_wait3A_629] : memref<32768xf32, #tpu.memory_space<vmem>> -> memref<2048xf32, #tpu.memory_space<vmem>>
        tpu.wait_dma2 semaphore(%arg6 : memref<!tpu.dma_semaphore, #tpu.memory_space<semaphore_mem>>) src(%dma_wait3A_630 : memref<2048xf32, #tpu.memory_space<vmem>>) dst(%dma_wait3A_628 : memref<2048xf32, #tpu.memory_space<hbm>>)
        %dma_wait3A_631 = arith.constant 0 : i32
        %dma_wait3A_632 = tpu.memref_slice %arg5[%dma_wait3A_631] : memref<32768xf32, #tpu.memory_space<vmem>> -> memref<2048xf32, #tpu.memory_space<vmem>>
        %dma_wait3A_633 = arith.constant 0 : i32
        %dma_wait3A_634 = tpu.memref_slice %arg3[%dma_wait3A_633] : memref<67108864xf32, #tpu.memory_space<hbm>> -> memref<2048xf32, #tpu.memory_space<hbm>>
        %dma_wait3A_635 = arith.constant 0 : i32
        %dma_wait3A_636 = tpu.memref_slice %arg3[%dma_wait3A_635] : memref<67108864xf32, #tpu.memory_space<hbm>> -> memref<2048xf32, #tpu.memory_space<hbm>>
        %dma_wait3A_637 = arith.constant 0 : i32
        %dma_wait3A_638 = tpu.memref_slice %arg5[%dma_wait3A_637] : memref<32768xf32, #tpu.memory_space<vmem>> -> memref<2048xf32, #tpu.memory_space<vmem>>
        tpu.wait_dma2 semaphore(%arg6 : memref<!tpu.dma_semaphore, #tpu.memory_space<semaphore_mem>>) src(%dma_wait3A_638 : memref<2048xf32, #tpu.memory_space<vmem>>) dst(%dma_wait3A_636 : memref<2048xf32, #tpu.memory_space<hbm>>)
        %dma_wait3A_639 = arith.constant 0 : i32
        %dma_wait3A_640 = tpu.memref_slice %arg5[%dma_wait3A_639] : memref<32768xf32, #tpu.memory_space<vmem>> -> memref<2048xf32, #tpu.memory_space<vmem>>
        %dma_wait3A_641 = arith.constant 0 : i32
        %dma_wait3A_642 = tpu.memref_slice %arg3[%dma_wait3A_641] : memref<67108864xf32, #tpu.memory_space<hbm>> -> memref<2048xf32, #tpu.memory_space<hbm>>
        %dma_wait3A_643 = arith.constant 0 : i32
        %dma_wait3A_644 = tpu.memref_slice %arg3[%dma_wait3A_643] : memref<67108864xf32, #tpu.memory_space<hbm>> -> memref<2048xf32, #tpu.memory_space<hbm>>
        %dma_wait3A_645 = arith.constant 0 : i32
        %dma_wait3A_646 = tpu.memref_slice %arg5[%dma_wait3A_645] : memref<32768xf32, #tpu.memory_space<vmem>> -> memref<2048xf32, #tpu.memory_space<vmem>>
        tpu.wait_dma2 semaphore(%arg6 : memref<!tpu.dma_semaphore, #tpu.memory_space<semaphore_mem>>) src(%dma_wait3A_646 : memref<2048xf32, #tpu.memory_space<vmem>>) dst(%dma_wait3A_644 : memref<2048xf32, #tpu.memory_space<hbm>>)
        %dma_wait3A_647 = arith.constant 0 : i32
        %dma_wait3A_648 = tpu.memref_slice %arg5[%dma_wait3A_647] : memref<32768xf32, #tpu.memory_space<vmem>> -> memref<2048xf32, #tpu.memory_space<vmem>>
        %dma_wait3A_649 = arith.constant 0 : i32
        %dma_wait3A_650 = tpu.memref_slice %arg3[%dma_wait3A_649] : memref<67108864xf32, #tpu.memory_space<hbm>> -> memref<2048xf32, #tpu.memory_space<hbm>>
        %dma_wait3A_651 = arith.constant 0 : i32
        %dma_wait3A_652 = tpu.memref_slice %arg3[%dma_wait3A_651] : memref<67108864xf32, #tpu.memory_space<hbm>> -> memref<2048xf32, #tpu.memory_space<hbm>>
        %dma_wait3A_653 = arith.constant 0 : i32
        %dma_wait3A_654 = tpu.memref_slice %arg5[%dma_wait3A_653] : memref<32768xf32, #tpu.memory_space<vmem>> -> memref<2048xf32, #tpu.memory_space<vmem>>
        tpu.wait_dma2 semaphore(%arg6 : memref<!tpu.dma_semaphore, #tpu.memory_space<semaphore_mem>>) src(%dma_wait3A_654 : memref<2048xf32, #tpu.memory_space<vmem>>) dst(%dma_wait3A_652 : memref<2048xf32, #tpu.memory_space<hbm>>)
        %dma_wait3A_655 = arith.constant 0 : i32
        %dma_wait3A_656 = tpu.memref_slice %arg5[%dma_wait3A_655] : memref<32768xf32, #tpu.memory_space<vmem>> -> memref<2048xf32, #tpu.memory_space<vmem>>
        %dma_wait3A_657 = arith.constant 0 : i32
        %dma_wait3A_658 = tpu.memref_slice %arg3[%dma_wait3A_657] : memref<67108864xf32, #tpu.memory_space<hbm>> -> memref<2048xf32, #tpu.memory_space<hbm>>
        %dma_wait3A_659 = arith.constant 0 : i32
        %dma_wait3A_660 = tpu.memref_slice %arg3[%dma_wait3A_659] : memref<67108864xf32, #tpu.memory_space<hbm>> -> memref<2048xf32, #tpu.memory_space<hbm>>
        %dma_wait3A_661 = arith.constant 0 : i32
        %dma_wait3A_662 = tpu.memref_slice %arg5[%dma_wait3A_661] : memref<32768xf32, #tpu.memory_space<vmem>> -> memref<2048xf32, #tpu.memory_space<vmem>>
        tpu.wait_dma2 semaphore(%arg6 : memref<!tpu.dma_semaphore, #tpu.memory_space<semaphore_mem>>) src(%dma_wait3A_662 : memref<2048xf32, #tpu.memory_space<vmem>>) dst(%dma_wait3A_660 : memref<2048xf32, #tpu.memory_space<hbm>>)
        %dma_wait3A_663 = arith.constant 0 : i32
        %dma_wait3A_664 = tpu.memref_slice %arg5[%dma_wait3A_663] : memref<32768xf32, #tpu.memory_space<vmem>> -> memref<2048xf32, #tpu.memory_space<vmem>>
        %dma_wait3A_665 = arith.constant 0 : i32
        %dma_wait3A_666 = tpu.memref_slice %arg3[%dma_wait3A_665] : memref<67108864xf32, #tpu.memory_space<hbm>> -> memref<2048xf32, #tpu.memory_space<hbm>>
        %dma_wait3A_667 = arith.constant 0 : i32
        %dma_wait3A_668 = tpu.memref_slice %arg3[%dma_wait3A_667] : memref<67108864xf32, #tpu.memory_space<hbm>> -> memref<2048xf32, #tpu.memory_space<hbm>>
        %dma_wait3A_669 = arith.constant 0 : i32
        %dma_wait3A_670 = tpu.memref_slice %arg5[%dma_wait3A_669] : memref<32768xf32, #tpu.memory_space<vmem>> -> memref<2048xf32, #tpu.memory_space<vmem>>
        tpu.wait_dma2 semaphore(%arg6 : memref<!tpu.dma_semaphore, #tpu.memory_space<semaphore_mem>>) src(%dma_wait3A_670 : memref<2048xf32, #tpu.memory_space<vmem>>) dst(%dma_wait3A_668 : memref<2048xf32, #tpu.memory_space<hbm>>)
      } else {
      }
      %scan3A_542 = arith.constant 0 : i32
      scf.yield %scan3A_542 : i32
    }
    %scan3A_15 = arith.constant 64 : i32
    %dma_wait3A = arith.constant 0 : i32
    %dma_wait3A_16 = tpu.memref_slice %arg5[%dma_wait3A] : memref<32768xf32, #tpu.memory_space<vmem>> -> memref<2048xf32, #tpu.memory_space<vmem>>
    %dma_wait3A_17 = arith.constant 0 : i32
    %dma_wait3A_18 = tpu.memref_slice %arg3[%dma_wait3A_17] : memref<67108864xf32, #tpu.memory_space<hbm>> -> memref<2048xf32, #tpu.memory_space<hbm>>
    %dma_wait3A_19 = arith.constant 0 : i32
    %dma_wait3A_20 = tpu.memref_slice %arg3[%dma_wait3A_19] : memref<67108864xf32, #tpu.memory_space<hbm>> -> memref<2048xf32, #tpu.memory_space<hbm>>
    %dma_wait3A_21 = arith.constant 0 : i32
    %dma_wait3A_22 = tpu.memref_slice %arg5[%dma_wait3A_21] : memref<32768xf32, #tpu.memory_space<vmem>> -> memref<2048xf32, #tpu.memory_space<vmem>>
    tpu.wait_dma2 semaphore(%arg6 : memref<!tpu.dma_semaphore, #tpu.memory_space<semaphore_mem>>) src(%dma_wait3A_22 : memref<2048xf32, #tpu.memory_space<vmem>>) dst(%dma_wait3A_20 : memref<2048xf32, #tpu.memory_space<hbm>>)
    %dma_wait3A_23 = arith.constant 0 : i32
    %dma_wait3A_24 = tpu.memref_slice %arg5[%dma_wait3A_23] : memref<32768xf32, #tpu.memory_space<vmem>> -> memref<2048xf32, #tpu.memory_space<vmem>>
    %dma_wait3A_25 = arith.constant 0 : i32
    %dma_wait3A_26 = tpu.memref_slice %arg3[%dma_wait3A_25] : memref<67108864xf32, #tpu.memory_space<hbm>> -> memref<2048xf32, #tpu.memory_space<hbm>>
    %dma_wait3A_27 = arith.constant 0 : i32
    %dma_wait3A_28 = tpu.memref_slice %arg3[%dma_wait3A_27] : memref<67108864xf32, #tpu.memory_space<hbm>> -> memref<2048xf32, #tpu.memory_space<hbm>>
    %dma_wait3A_29 = arith.constant 0 : i32
    %dma_wait3A_30 = tpu.memref_slice %arg5[%dma_wait3A_29] : memref<32768xf32, #tpu.memory_space<vmem>> -> memref<2048xf32, #tpu.memory_space<vmem>>
    tpu.wait_dma2 semaphore(%arg6 : memref<!tpu.dma_semaphore, #tpu.memory_space<semaphore_mem>>) src(%dma_wait3A_30 : memref<2048xf32, #tpu.memory_space<vmem>>) dst(%dma_wait3A_28 : memref<2048xf32, #tpu.memory_space<hbm>>)
    %dma_wait3A_31 = arith.constant 0 : i32
    %dma_wait3A_32 = tpu.memref_slice %arg5[%dma_wait3A_31] : memref<32768xf32, #tpu.memory_space<vmem>> -> memref<2048xf32, #tpu.memory_space<vmem>>
    %dma_wait3A_33 = arith.constant 0 : i32
    %dma_wait3A_34 = tpu.memref_slice %arg3[%dma_wait3A_33] : memref<67108864xf32, #tpu.memory_space<hbm>> -> memref<2048xf32, #tpu.memory_space<hbm>>
    %dma_wait3A_35 = arith.constant 0 : i32
    %dma_wait3A_36 = tpu.memref_slice %arg3[%dma_wait3A_35] : memref<67108864xf32, #tpu.memory_space<hbm>> -> memref<2048xf32, #tpu.memory_space<hbm>>
    %dma_wait3A_37 = arith.constant 0 : i32
    %dma_wait3A_38 = tpu.memref_slice %arg5[%dma_wait3A_37] : memref<32768xf32, #tpu.memory_space<vmem>> -> memref<2048xf32, #tpu.memory_space<vmem>>
    tpu.wait_dma2 semaphore(%arg6 : memref<!tpu.dma_semaphore, #tpu.memory_space<semaphore_mem>>) src(%dma_wait3A_38 : memref<2048xf32, #tpu.memory_space<vmem>>) dst(%dma_wait3A_36 : memref<2048xf32, #tpu.memory_space<hbm>>)
    %dma_wait3A_39 = arith.constant 0 : i32
    %dma_wait3A_40 = tpu.memref_slice %arg5[%dma_wait3A_39] : memref<32768xf32, #tpu.memory_space<vmem>> -> memref<2048xf32, #tpu.memory_space<vmem>>
    %dma_wait3A_41 = arith.constant 0 : i32
    %dma_wait3A_42 = tpu.memref_slice %arg3[%dma_wait3A_41] : memref<67108864xf32, #tpu.memory_space<hbm>> -> memref<2048xf32, #tpu.memory_space<hbm>>
    %dma_wait3A_43 = arith.constant 0 : i32
    %dma_wait3A_44 = tpu.memref_slice %arg3[%dma_wait3A_43] : memref<67108864xf32, #tpu.memory_space<hbm>> -> memref<2048xf32, #tpu.memory_space<hbm>>
    %dma_wait3A_45 = arith.constant 0 : i32
    %dma_wait3A_46 = tpu.memref_slice %arg5[%dma_wait3A_45] : memref<32768xf32, #tpu.memory_space<vmem>> -> memref<2048xf32, #tpu.memory_space<vmem>>
    tpu.wait_dma2 semaphore(%arg6 : memref<!tpu.dma_semaphore, #tpu.memory_space<semaphore_mem>>) src(%dma_wait3A_46 : memref<2048xf32, #tpu.memory_space<vmem>>) dst(%dma_wait3A_44 : memref<2048xf32, #tpu.memory_space<hbm>>)
    %dma_wait3A_47 = arith.constant 0 : i32
    %dma_wait3A_48 = tpu.memref_slice %arg5[%dma_wait3A_47] : memref<32768xf32, #tpu.memory_space<vmem>> -> memref<2048xf32, #tpu.memory_space<vmem>>
    %dma_wait3A_49 = arith.constant 0 : i32
    %dma_wait3A_50 = tpu.memref_slice %arg3[%dma_wait3A_49] : memref<67108864xf32, #tpu.memory_space<hbm>> -> memref<2048xf32, #tpu.memory_space<hbm>>
    %dma_wait3A_51 = arith.constant 0 : i32
    %dma_wait3A_52 = tpu.memref_slice %arg3[%dma_wait3A_51] : memref<67108864xf32, #tpu.memory_space<hbm>> -> memref<2048xf32, #tpu.memory_space<hbm>>
    %dma_wait3A_53 = arith.constant 0 : i32
    %dma_wait3A_54 = tpu.memref_slice %arg5[%dma_wait3A_53] : memref<32768xf32, #tpu.memory_space<vmem>> -> memref<2048xf32, #tpu.memory_space<vmem>>
    tpu.wait_dma2 semaphore(%arg6 : memref<!tpu.dma_semaphore, #tpu.memory_space<semaphore_mem>>) src(%dma_wait3A_54 : memref<2048xf32, #tpu.memory_space<vmem>>) dst(%dma_wait3A_52 : memref<2048xf32, #tpu.memory_space<hbm>>)
    %dma_wait3A_55 = arith.constant 0 : i32
    %dma_wait3A_56 = tpu.memref_slice %arg5[%dma_wait3A_55] : memref<32768xf32, #tpu.memory_space<vmem>> -> memref<2048xf32, #tpu.memory_space<vmem>>
    %dma_wait3A_57 = arith.constant 0 : i32
    %dma_wait3A_58 = tpu.memref_slice %arg3[%dma_wait3A_57] : memref<67108864xf32, #tpu.memory_space<hbm>> -> memref<2048xf32, #tpu.memory_space<hbm>>
    %dma_wait3A_59 = arith.constant 0 : i32
    %dma_wait3A_60 = tpu.memref_slice %arg3[%dma_wait3A_59] : memref<67108864xf32, #tpu.memory_space<hbm>> -> memref<2048xf32, #tpu.memory_space<hbm>>
    %dma_wait3A_61 = arith.constant 0 : i32
    %dma_wait3A_62 = tpu.memref_slice %arg5[%dma_wait3A_61] : memref<32768xf32, #tpu.memory_space<vmem>> -> memref<2048xf32, #tpu.memory_space<vmem>>
    tpu.wait_dma2 semaphore(%arg6 : memref<!tpu.dma_semaphore, #tpu.memory_space<semaphore_mem>>) src(%dma_wait3A_62 : memref<2048xf32, #tpu.memory_space<vmem>>) dst(%dma_wait3A_60 : memref<2048xf32, #tpu.memory_space<hbm>>)
    %dma_wait3A_63 = arith.constant 0 : i32
    %dma_wait3A_64 = tpu.memref_slice %arg5[%dma_wait3A_63] : memref<32768xf32, #tpu.memory_space<vmem>> -> memref<2048xf32, #tpu.memory_space<vmem>>
    %dma_wait3A_65 = arith.constant 0 : i32
    %dma_wait3A_66 = tpu.memref_slice %arg3[%dma_wait3A_65] : memref<67108864xf32, #tpu.memory_space<hbm>> -> memref<2048xf32, #tpu.memory_space<hbm>>
    %dma_wait3A_67 = arith.constant 0 : i32
    %dma_wait3A_68 = tpu.memref_slice %arg3[%dma_wait3A_67] : memref<67108864xf32, #tpu.memory_space<hbm>> -> memref<2048xf32, #tpu.memory_space<hbm>>
    %dma_wait3A_69 = arith.constant 0 : i32
    %dma_wait3A_70 = tpu.memref_slice %arg5[%dma_wait3A_69] : memref<32768xf32, #tpu.memory_space<vmem>> -> memref<2048xf32, #tpu.memory_space<vmem>>
    tpu.wait_dma2 semaphore(%arg6 : memref<!tpu.dma_semaphore, #tpu.memory_space<semaphore_mem>>) src(%dma_wait3A_70 : memref<2048xf32, #tpu.memory_space<vmem>>) dst(%dma_wait3A_68 : memref<2048xf32, #tpu.memory_space<hbm>>)
    %dma_wait3A_71 = arith.constant 0 : i32
    %dma_wait3A_72 = tpu.memref_slice %arg5[%dma_wait3A_71] : memref<32768xf32, #tpu.memory_space<vmem>> -> memref<2048xf32, #tpu.memory_space<vmem>>
    %dma_wait3A_73 = arith.constant 0 : i32
    %dma_wait3A_74 = tpu.memref_slice %arg3[%dma_wait3A_73] : memref<67108864xf32, #tpu.memory_space<hbm>> -> memref<2048xf32, #tpu.memory_space<hbm>>
    %dma_wait3A_75 = arith.constant 0 : i32
    %dma_wait3A_76 = tpu.memref_slice %arg3[%dma_wait3A_75] : memref<67108864xf32, #tpu.memory_space<hbm>> -> memref<2048xf32, #tpu.memory_space<hbm>>
    %dma_wait3A_77 = arith.constant 0 : i32
    %dma_wait3A_78 = tpu.memref_slice %arg5[%dma_wait3A_77] : memref<32768xf32, #tpu.memory_space<vmem>> -> memref<2048xf32, #tpu.memory_space<vmem>>
    tpu.wait_dma2 semaphore(%arg6 : memref<!tpu.dma_semaphore, #tpu.memory_space<semaphore_mem>>) src(%dma_wait3A_78 : memref<2048xf32, #tpu.memory_space<vmem>>) dst(%dma_wait3A_76 : memref<2048xf32, #tpu.memory_space<hbm>>)
    %dma_wait3A_79 = arith.constant 0 : i32
    %dma_wait3A_80 = tpu.memref_slice %arg5[%dma_wait3A_79] : memref<32768xf32, #tpu.memory_space<vmem>> -> memref<2048xf32, #tpu.memory_space<vmem>>
    %dma_wait3A_81 = arith.constant 0 : i32
    %dma_wait3A_82 = tpu.memref_slice %arg3[%dma_wait3A_81] : memref<67108864xf32, #tpu.memory_space<hbm>> -> memref<2048xf32, #tpu.memory_space<hbm>>
    %dma_wait3A_83 = arith.constant 0 : i32
    %dma_wait3A_84 = tpu.memref_slice %arg3[%dma_wait3A_83] : memref<67108864xf32, #tpu.memory_space<hbm>> -> memref<2048xf32, #tpu.memory_space<hbm>>
    %dma_wait3A_85 = arith.constant 0 : i32
    %dma_wait3A_86 = tpu.memref_slice %arg5[%dma_wait3A_85] : memref<32768xf32, #tpu.memory_space<vmem>> -> memref<2048xf32, #tpu.memory_space<vmem>>
    tpu.wait_dma2 semaphore(%arg6 : memref<!tpu.dma_semaphore, #tpu.memory_space<semaphore_mem>>) src(%dma_wait3A_86 : memref<2048xf32, #tpu.memory_space<vmem>>) dst(%dma_wait3A_84 : memref<2048xf32, #tpu.memory_space<hbm>>)
    %dma_wait3A_87 = arith.constant 0 : i32
    %dma_wait3A_88 = tpu.memref_slice %arg5[%dma_wait3A_87] : memref<32768xf32, #tpu.memory_space<vmem>> -> memref<2048xf32, #tpu.memory_space<vmem>>
    %dma_wait3A_89 = arith.constant 0 : i32
    %dma_wait3A_90 = tpu.memref_slice %arg3[%dma_wait3A_89] : memref<67108864xf32, #tpu.memory_space<hbm>> -> memref<2048xf32, #tpu.memory_space<hbm>>
    %dma_wait3A_91 = arith.constant 0 : i32
    %dma_wait3A_92 = tpu.memref_slice %arg3[%dma_wait3A_91] : memref<67108864xf32, #tpu.memory_space<hbm>> -> memref<2048xf32, #tpu.memory_space<hbm>>
    %dma_wait3A_93 = arith.constant 0 : i32
    %dma_wait3A_94 = tpu.memref_slice %arg5[%dma_wait3A_93] : memref<32768xf32, #tpu.memory_space<vmem>> -> memref<2048xf32, #tpu.memory_space<vmem>>
    tpu.wait_dma2 semaphore(%arg6 : memref<!tpu.dma_semaphore, #tpu.memory_space<semaphore_mem>>) src(%dma_wait3A_94 : memref<2048xf32, #tpu.memory_space<vmem>>) dst(%dma_wait3A_92 : memref<2048xf32, #tpu.memory_space<hbm>>)
    %dma_wait3A_95 = arith.constant 0 : i32
    %dma_wait3A_96 = tpu.memref_slice %arg5[%dma_wait3A_95] : memref<32768xf32, #tpu.memory_space<vmem>> -> memref<2048xf32, #tpu.memory_space<vmem>>
    %dma_wait3A_97 = arith.constant 0 : i32
    %dma_wait3A_98 = tpu.memref_slice %arg3[%dma_wait3A_97] : memref<67108864xf32, #tpu.memory_space<hbm>> -> memref<2048xf32, #tpu.memory_space<hbm>>
    %dma_wait3A_99 = arith.constant 0 : i32
    %dma_wait3A_100 = tpu.memref_slice %arg3[%dma_wait3A_99] : memref<67108864xf32, #tpu.memory_space<hbm>> -> memref<2048xf32, #tpu.memory_space<hbm>>
    %dma_wait3A_101 = arith.constant 0 : i32
    %dma_wait3A_102 = tpu.memref_slice %arg5[%dma_wait3A_101] : memref<32768xf32, #tpu.memory_space<vmem>> -> memref<2048xf32, #tpu.memory_space<vmem>>
    tpu.wait_dma2 semaphore(%arg6 : memref<!tpu.dma_semaphore, #tpu.memory_space<semaphore_mem>>) src(%dma_wait3A_102 : memref<2048xf32, #tpu.memory_space<vmem>>) dst(%dma_wait3A_100 : memref<2048xf32, #tpu.memory_space<hbm>>)
    %dma_wait3A_103 = arith.constant 0 : i32
    %dma_wait3A_104 = tpu.memref_slice %arg5[%dma_wait3A_103] : memref<32768xf32, #tpu.memory_space<vmem>> -> memref<2048xf32, #tpu.memory_space<vmem>>
    %dma_wait3A_105 = arith.constant 0 : i32
    %dma_wait3A_106 = tpu.memref_slice %arg3[%dma_wait3A_105] : memref<67108864xf32, #tpu.memory_space<hbm>> -> memref<2048xf32, #tpu.memory_space<hbm>>
    %dma_wait3A_107 = arith.constant 0 : i32
    %dma_wait3A_108 = tpu.memref_slice %arg3[%dma_wait3A_107] : memref<67108864xf32, #tpu.memory_space<hbm>> -> memref<2048xf32, #tpu.memory_space<hbm>>
    %dma_wait3A_109 = arith.constant 0 : i32
    %dma_wait3A_110 = tpu.memref_slice %arg5[%dma_wait3A_109] : memref<32768xf32, #tpu.memory_space<vmem>> -> memref<2048xf32, #tpu.memory_space<vmem>>
    tpu.wait_dma2 semaphore(%arg6 : memref<!tpu.dma_semaphore, #tpu.memory_space<semaphore_mem>>) src(%dma_wait3A_110 : memref<2048xf32, #tpu.memory_space<vmem>>) dst(%dma_wait3A_108 : memref<2048xf32, #tpu.memory_space<hbm>>)
    %dma_wait3A_111 = arith.constant 0 : i32
    %dma_wait3A_112 = tpu.memref_slice %arg5[%dma_wait3A_111] : memref<32768xf32, #tpu.memory_space<vmem>> -> memref<2048xf32, #tpu.memory_space<vmem>>
    %dma_wait3A_113 = arith.constant 0 : i32
    %dma_wait3A_114 = tpu.memref_slice %arg3[%dma_wait3A_113] : memref<67108864xf32, #tpu.memory_space<hbm>> -> memref<2048xf32, #tpu.memory_space<hbm>>
    %dma_wait3A_115 = arith.constant 0 : i32
    %dma_wait3A_116 = tpu.memref_slice %arg3[%dma_wait3A_115] : memref<67108864xf32, #tpu.memory_space<hbm>> -> memref<2048xf32, #tpu.memory_space<hbm>>
    %dma_wait3A_117 = arith.constant 0 : i32
    %dma_wait3A_118 = tpu.memref_slice %arg5[%dma_wait3A_117] : memref<32768xf32, #tpu.memory_space<vmem>> -> memref<2048xf32, #tpu.memory_space<vmem>>
    tpu.wait_dma2 semaphore(%arg6 : memref<!tpu.dma_semaphore, #tpu.memory_space<semaphore_mem>>) src(%dma_wait3A_118 : memref<2048xf32, #tpu.memory_space<vmem>>) dst(%dma_wait3A_116 : memref<2048xf32, #tpu.memory_space<hbm>>)
    %dma_wait3A_119 = arith.constant 0 : i32
    %dma_wait3A_120 = tpu.memref_slice %arg5[%dma_wait3A_119] : memref<32768xf32, #tpu.memory_space<vmem>> -> memref<2048xf32, #tpu.memory_space<vmem>>
    %dma_wait3A_121 = arith.constant 0 : i32
    %dma_wait3A_122 = tpu.memref_slice %arg3[%dma_wait3A_121] : memref<67108864xf32, #tpu.memory_space<hbm>> -> memref<2048xf32, #tpu.memory_space<hbm>>
    %dma_wait3A_123 = arith.constant 0 : i32
    %dma_wait3A_124 = tpu.memref_slice %arg3[%dma_wait3A_123] : memref<67108864xf32, #tpu.memory_space<hbm>> -> memref<2048xf32, #tpu.memory_space<hbm>>
    %dma_wait3A_125 = arith.constant 0 : i32
    %dma_wait3A_126 = tpu.memref_slice %arg5[%dma_wait3A_125] : memref<32768xf32, #tpu.memory_space<vmem>> -> memref<2048xf32, #tpu.memory_space<vmem>>
    tpu.wait_dma2 semaphore(%arg6 : memref<!tpu.dma_semaphore, #tpu.memory_space<semaphore_mem>>) src(%dma_wait3A_126 : memref<2048xf32, #tpu.memory_space<vmem>>) dst(%dma_wait3A_124 : memref<2048xf32, #tpu.memory_space<hbm>>)
    %dma_wait3A_127 = arith.constant 0 : i32
    %dma_wait3A_128 = tpu.memref_slice %arg5[%dma_wait3A_127] : memref<32768xf32, #tpu.memory_space<vmem>> -> memref<2048xf32, #tpu.memory_space<vmem>>
    %dma_wait3A_129 = arith.constant 0 : i32
    %dma_wait3A_130 = tpu.memref_slice %arg3[%dma_wait3A_129] : memref<67108864xf32, #tpu.memory_space<hbm>> -> memref<2048xf32, #tpu.memory_space<hbm>>
    %dma_wait3A_131 = arith.constant 0 : i32
    %dma_wait3A_132 = tpu.memref_slice %arg3[%dma_wait3A_131] : memref<67108864xf32, #tpu.memory_space<hbm>> -> memref<2048xf32, #tpu.memory_space<hbm>>
    %dma_wait3A_133 = arith.constant 0 : i32
    %dma_wait3A_134 = tpu.memref_slice %arg5[%dma_wait3A_133] : memref<32768xf32, #tpu.memory_space<vmem>> -> memref<2048xf32, #tpu.memory_space<vmem>>
    tpu.wait_dma2 semaphore(%arg6 : memref<!tpu.dma_semaphore, #tpu.memory_space<semaphore_mem>>) src(%dma_wait3A_134 : memref<2048xf32, #tpu.memory_space<vmem>>) dst(%dma_wait3A_132 : memref<2048xf32, #tpu.memory_space<hbm>>)
    %dma_wait3A_135 = arith.constant 0 : i32
    %dma_wait3A_136 = tpu.memref_slice %arg5[%dma_wait3A_135] : memref<32768xf32, #tpu.memory_space<vmem>> -> memref<2048xf32, #tpu.memory_space<vmem>>
    %dma_wait3A_137 = arith.constant 0 : i32
    %dma_wait3A_138 = tpu.memref_slice %arg3[%dma_wait3A_137] : memref<67108864xf32, #tpu.memory_space<hbm>> -> memref<2048xf32, #tpu.memory_space<hbm>>
    %dma_wait3A_139 = arith.constant 0 : i32
    %dma_wait3A_140 = tpu.memref_slice %arg3[%dma_wait3A_139] : memref<67108864xf32, #tpu.memory_space<hbm>> -> memref<2048xf32, #tpu.memory_space<hbm>>
    %dma_wait3A_141 = arith.constant 0 : i32
    %dma_wait3A_142 = tpu.memref_slice %arg5[%dma_wait3A_141] : memref<32768xf32, #tpu.memory_space<vmem>> -> memref<2048xf32, #tpu.memory_space<vmem>>
    tpu.wait_dma2 semaphore(%arg6 : memref<!tpu.dma_semaphore, #tpu.memory_space<semaphore_mem>>) src(%dma_wait3A_142 : memref<2048xf32, #tpu.memory_space<vmem>>) dst(%dma_wait3A_140 : memref<2048xf32, #tpu.memory_space<hbm>>)
    return
  }
}

</mosaic_0001>

<sc_bundles>
// kernel: _rel_pos_bias.3.cloned.1.call-start
scs
__scs_entry_jumppad:
0x0: {  	(pc) =	sbr.rel $0x88, $3  }
0x1: {  	(tag) =	ssettag $0x0;
	lr =	simm.s32 $0x1  }
0x2: {  	[smem:$0x3FA0] =	sst lr;
	_ =	strace $0xD0000000  }
0x3: {  	_ = 	snop  }
0x4: {  	_ = 	snop  }
0x5: {  	_ = 	snop  }
0x6: {  	_ = 	snop  }
0x7: {  	_ = 	snop  }
__scs_overlays_trampoline_lowered:
0x8: {  	[smem:$0x3FAF] =	sst s0  }
0x9: {  	[smem:$0x3FB0] =	sst s1  }
0xa: {  	[smem:$0x3FB1] =	sst s2  }
0xb: {  	[smem:$0x3FB2] =	sst s3  }
0xc: {  	[smem:$0x3FB3] =	sst s4  }
0xd: {  	[smem:$0x3FB4] =	sst s5  }
0xe: {  	[smem:$0x3FB5] =	sst s6  }
0xf: {  	[smem:$0x3FB6] =	sst s7  }
0x10: {  	[smem:$0x3FB7] =	sst s8  }
0x11: {  	[smem:$0x3FB8] =	sst s9;
	s0 =	simm.s32 @!p0 $0x0  }
0x12: {  	s1 =	sld [smem:$0x3F9E];
	s0 =	simm.s32 @p0 $0x1  }
0x13: {  	[smem:$0x3FB9] =	sst s0;
	s0 =	simm.s32 @!p1 $0x0  }
0x14: {  	s2 =	sld [smem:$0x3F9D];
	s0 =	simm.s32 @p1 $0x1  }
0x15: {  	[smem:$0x3FBA] =	sst s0;
	s0 =	simm.s32 @!p2 $0x0  }
0x16: {  	s3 =	sld [smem:$0x3FDB];
	s0 =	simm.s32 @p2 $0x1  }
0x17: {  	s4 =	simm.s32 $0x1BF5;
	[smem:$0x3FBC] =	sst s0  }
0x18: {  	s0 =	sld [smem:$0x3F9F];
	_ =	swait.ge [sflag:s4], $0x0  }
0x19: {  	s7 =	sld [smem:$0x3FA0]  }
0x1a: {  	s8 =	sadd.s32 $0xFFFFE003, lr  }
0x1b: {  	s9 =	sadd.s32 $0xFFFFFEF7, lr;
	s5 =	simm.s32 $0xFFFFFFFF;
	p2 =	slt.u32 s8, $0xFFFFF086  }
0x1c: {  	p1 =	slt.u32 s9, $0xF7A;
	s5 =	simm.s32 @!p2 $0x0  }
0x1d: {  	s5 =	simm.s32 @p1 $0x1;
	p0 =	seq.s32 s7, s2  }
0x1e: {  	s7 =	smul.u32 @!p0 $0xF7A, s2;
	p2 =	seq.s32 @!p0 s5, $0x0  }
0x1f: {  	s9 =	smul.u32 $0xF7A, s1;
	s8 =	simm.s32 @!p0 $0x1BF5;
	p2 =	por !p2, p0  }
0x20: {  	[sflag:s8] =	ssyncset.s32 @!p0 $0xFFFFF086;
	s6 =	sadd.s32 @!p0 s3, s7;
	s7 =	simm.s32 @!p0 $0x108  }
0x21: {  	s3 =	sadd.s32 s3, s9;
	s6 =	sadd.s32 @!p0 $0x88, s6;
	s7 =	simm.s32 @p2 $0x1082  }
0x22: {  	[simem:s7], [sflag:s8] =	dma.local @!p0 [hbm:s6], $0xF7A  }
0x23: {  	s9 =	sor.u32 $0xD0000000, s2;
	s6 =	simm.s32 $0x108;
	_ =	swait.ge @!p0 [sflag:s8], $0x0  }
0x24: {  	s3 =	sadd.s32 $0x88, s3;
	s6 =	simm.s32 @!p1 $0x1082;
	[sflag:s4] =	ssyncset.s32 $0xFFFFF086  }
0x25: {  	[simem:s6], [sflag:s4] =	dma.local [hbm:s3], $0xF7A  }
0x26: {  	[smem:$0x3FA0] =	sst s1;
	(tag) =	ssettag s2;
	_ =	strace s9  }
0x27: {  	s1 =	sld [smem:$0x3FB0]  }
0x28: {  	s2 =	sld [smem:$0x3FB1]  }
0x29: {  	s4 =	sld [smem:$0x3FB3]  }
0x2a: {  	p0 =	seq.s32 s5, $0x0;
	s5 =	sld [smem:$0x3FB4]  }
0x2b: {  	s6 =	sld [smem:$0x3FB5]  }
0x2c: {  	s7 =	sld [smem:$0x3FB6]  }
0x2d: {  	s3 =	simm.s32 $0x108;
	s8 =	sld [smem:$0x3FB7]  }
0x2e: {  	s3 =	simm.s32 @!p0 $0x1082;
	s9 =	sld [smem:$0x3FB8]  }
0x2f: {  	lr =	sadd.s32 s0, s3;
	s0 =	sld [smem:$0x3FAF]  }
0x30: {  	s3 =	sld [smem:$0x3FB2]  }
0x31: {  	[smem:$0x3FBB] =	sst s10  }
0x32: {  	s10 =	sld [smem:$0x3FB9];
	_ =	sdelay $0x3  }
0x33: {  	p0 =	seq.s32 s10, $0x1;
	s10 =	sld [smem:$0x3FBB];
	_ =	sdelay $0x3  }
0x34: {  	[smem:$0x3FBB] =	sst s10  }
0x35: {  	s10 =	sld [smem:$0x3FBA];
	_ =	sdelay $0x3  }
0x36: {  	p1 =	seq.s32 s10, $0x1;
	s10 =	sld [smem:$0x3FBB];
	_ =	sdelay $0x3  }
0x37: {  	[smem:$0x3FBB] =	sst s10  }
0x38: {  	s10 =	sld [smem:$0x3FBC]  }
0x39: {  	_ = 	snop;
	(pc) =	sbr.ind lr, $3  }
0x3a: {  	_ = 	snop  }
0x3b: {  	_ = 	snop  }
0x3c: {  	p2 =	seq.s32 s10, $0x1;
	s10 =	sld [smem:$0x3FBB]  }
0x3d: {  	_ =	shalt  }
0x3e: {  	_ =	shalt  }
0x3f: {  	_ =	shalt  }
0x40: {  	_ =	shalt  }
0x41: {  	_ =	shalt  }
0x42: {  	_ =	shalt  }
0x43: {  	_ =	shalt  }
0x44: {  	_ =	shalt  }
0x45: {  	_ =	shalt  }
0x46: {  	_ =	shalt  }
0x47: {  	_ =	shalt  }
0x48: {  	_ =	shalt  }
0x49: {  	_ =	shalt  }
0x4a: {  	_ =	shalt  }
0x4b: {  	_ =	shalt  }
0x4c: {  	_ =	shalt  }
0x4d: {  	_ =	shalt  }
0x4e: {  	_ =	shalt  }
0x4f: {  	_ =	shalt  }
0x50: {  	_ =	shalt  }
0x51: {  	_ =	shalt  }
0x52: {  	_ =	shalt  }
0x53: {  	_ =	shalt  }
0x54: {  	_ =	shalt  }
0x55: {  	_ =	shalt  }
0x56: {  	_ =	shalt  }
0x57: {  	_ =	shalt  }
0x58: {  	_ =	shalt  }
0x59: {  	_ =	shalt  }
0x5a: {  	_ =	shalt  }
0x5b: {  	_ =	shalt  }
0x5c: {  	_ =	shalt  }
0x5d: {  	_ =	shalt  }
0x5e: {  	_ =	shalt  }
0x5f: {  	_ =	shalt  }
0x60: {  	_ =	shalt  }
0x61: {  	_ =	shalt  }
0x62: {  	_ =	shalt  }
0x63: {  	_ =	shalt  }
0x64: {  	_ =	shalt  }
0x65: {  	_ =	shalt  }
0x66: {  	_ =	shalt  }
0x67: {  	_ =	shalt  }
0x68: {  	_ =	shalt  }
0x69: {  	_ =	shalt  }
0x6a: {  	_ =	shalt  }
0x6b: {  	_ =	shalt  }
0x6c: {  	_ =	shalt  }
0x6d: {  	_ =	shalt  }
0x6e: {  	_ =	shalt  }
0x6f: {  	_ =	shalt  }
0x70: {  	_ =	shalt  }
0x71: {  	_ =	shalt  }
0x72: {  	_ =	shalt  }
0x73: {  	_ =	shalt  }
0x74: {  	_ =	shalt  }
0x75: {  	_ =	shalt  }
0x76: {  	_ =	shalt  }
0x77: {  	_ =	shalt  }
0x78: {  	_ =	shalt  }
0x79: {  	_ =	shalt  }
0x7a: {  	_ =	shalt  }
0x7b: {  	_ =	shalt  }
0x7c: {  	_ =	shalt  }
0x7d: {  	_ =	shalt  }
0x7e: {  	_ =	shalt  }
0x7f: {  	_ =	shalt  }
0x80: {  	_ =	shalt  }
0x81: {  	_ =	shalt  }
0x82: {  	_ =	shalt  }
0x83: {  	_ =	shalt  }
0x84: {  	_ =	shalt  }
0x85: {  	_ =	shalt  }
0x86: {  	_ =	shalt  }
0x87: {  	_ =	shalt  }
.Lfunc_end0:
.L_simem_size_0:
called_computation_lowered:
.L_overlay_start_0:
0x88: {  	s2 =	sld [smem:$0x3FD9]  }
0x89: {  	s3 =	sld [smem:$0x3FFE];
	_ =	sdelay $0x1  }
0x8a: {  	s1 =	srdreg.scid  }
0x8b: {  	s0 =	sand.u32 $0x1, s1  }
0x8c: {  	s18 =	sshll.u32 s0, $0xA;
	s2 =	sadd.s32 s3, s2  }
0x8d: {  	s2 =	sadd.s32 s2, s18  }
0x8e: {  	[smem:$0x3FC7] =	sst s2  }
0x8f: {  	_ = 	snop  }
0x90: {  	s2 =	sld [smem:$0x3FC9]  }
0x91: {  	s19 =	sld [smem:$0x3FD0];
	(tm) =	ssettm $0x1  }
0x92: {  	s4 =	sld [smem:$0x3FFB];
	_ =	sdelay $0x3  }
0x93: {  	_ =	strace s4  }
0x94: {  	s4 =	sld [smem:$0x3FFC];
	_ =	sdelay $0x3  }
0x95: {  	_ =	strace s4  }
0x96: {  	s4 =	sld [smem:$0x3FFD];
	_ =	sdelay $0x3  }
0x97: {  	_ =	strace s4  }
0x98: {  	_ =	strace $0x8FFFFFFF  }
0x99: {  	s20 =	sld [smem:$0x3FDB];
	_ =	sdelay $0x1  }
0x9a: {  	s5 =	simm.s32 $_scs_section_size  }
0x9b: {  	s6 =	simm.s32 $_size__tile_overlayer_lowered;
	s7 =	simm.s32 $_tile_overlayer_lowered  }
0x9c: {  	s23 =	simm.s32 $0x1BFF;
	s22 =	sshll.u32 s7, $0x1;
	s4 =	sadd.s32 s5, s20  }
0x9d: {  	s8 =	simm.s32 $0x0;
	s21 =	sshll.u32 s6, $0x1;
	s6 =	sadd.s32 s22, s4  }
0x9e: {  	[timem:s8], [sflag:s23] =	dma.local [hbm:s6], s21  }
0x9f: {  	_ =	swait.ge [sflag:s23], s21  }
0xa0: {  	s5 =	ssub.s32 $0x0, s21;
	[sflag:s23] =	ssyncset.done $0x0  }
0xa1: {  	[sflag:s23] =	ssyncadd.s32 s5;
	_ =	sdelay $0x1  }
0xa2: {  	s24 =	simm.s32 $0x1B8B  }
0xa3: {  	_ =	swait.ge [sflag:s24], $0x1  }
0xa4: {  	[sflag:s24] =	ssyncset.done $0x0  }
0xa5: {  	s25 =	simm.s32 $0x1B8E;
	[sflag:s24] =	ssyncadd.s32 $0xFFFFFFFF  }
0xa6: {  	s26 =	simm.s32 $execute0_lowered;
	[smem:$0x3FD2] =	sst s25  }
0xa7: {  	s5 =	sshll.u32 s26, $0x1;
	_ =	strace $0x80000046;
	[dreg:$0x1] =	wrdreg $0xFFFFFFFF  }
0xa8: {  	s28 =	simm.s32 $_size_execute0_lowered;
	s4 =	sadd.s32 s4, s5;
	[dreg:$0x0] =	wrdreg $0x0  }
0xa9: {  	s5 =	sshll.u32 s28, $0x1;
	[dreg:$0x2] =	wrdreg s4  }
0xaa: {  	[dreg:$0x3] =	wrdreg s5  }
0xab: {  	[dreg:$0x4] =	wrdreg $0xC0  }
0xac: {  	_ =	task [dreg:s8], $0x5FFFF  }
0xad: {  	[dreg:$0x1] =	wrdreg $0xFFFFFFFF  }
0xae: {  	[dreg:$0x0] =	wrdreg $0x60  }
0xaf: {  	[dreg:$0x2] =	wrdreg s2  }
0xb0: {  	[dreg:$0x3] =	wrdreg s19  }
0xb1: {  	[dreg:$0x4] =	wrdreg $0x9  }
0xb2: {  	_ =	task.clear_ibuf [dreg:s8], $0x5FFFF;
	_ =	strace $0x90000046  }
0xb3: {  	s29 =	simm.s32 $0x9;
	_ =	strace $0x80000048  }
0xb4: {  	_ =	swait.ge [sflag:s29], $0x1  }
0xb5: {  	[sflag:s29] =	ssyncadd.s32 $0xFFFFFFFF  }
0xb6: {  	_ =	strace $0x90000048  }
0xb7: {  	_ =	sfence  }
0xb8: {  	s30 =	sld [smem:$0x0];
	_ =	sdelay $0x2  }
0xb9: {  	s31 =	sshll.u32 s1, $0xD;
	s1 =	sshrl.u32 s1, $0x2  }
0xba: {  	s3 =	sand.u32 $0x4000, s31;
	s1 =	sadd.s32 s1, s30  }
0xbb: {  	s0 =	sor.u32 s3, s0;
	s1 =	sshll.u32 s1, $0x11  }
0xbc: {  	s0 =	sor.u32 s1, s0  }
0xbd: {  	s0 =	sadd.s32 $0x8F2B, s0  }
0xbe: {  	[sflag:s0] =	ssyncadd.remote.s32 $0x1  }
0xbf: {  	_ =	sfence.sel $0xFFFF  }
0xc0: {  	[dreg:$0x0] =	wrdreg $0xFFFFFFFF;
	(pc) =	sbr.abs _section_cstart, $3  }
0xc1: {  	[dreg:$0x1] =	wrdreg $0xFFFFFFFF  }
0xc2: {  	_ =	task.clear_ibuf [dreg:s8], $0x2FFFF;
	_ =	strace $0x9FFFFFFF  }
0xc3: {  	(tm) =	ssettm $0x7FFFFFFF  }
tec
execute0_lowered:
.L_overlay_start_1:
0x0: {  	(tag) =	ssettag $0x1  }
0x1: {  	s1 =	rddreg [dreg:$0x0]  }
0x2: {  	s4 =	rddreg [dreg:$0x1]  }
0x3: {  	s0 =	rddreg [dreg:$0x2]  }
0x4: {  	s3 =	simm.s32 $0x0;
	s5 =	srdreg.scid;
	s2 =	stileid.u32  }
0x5: {  	[smem:$0x7FF] =	sst s3;
	s5 =	sand.u32 $0x1, s5;
	s6 =	sshll.u32 s2, $0x16  }
0x6: {  	v0 =	vlaneseq.u32;
	_ =	strace $0x80000047;
	s7 =	sshll.u32 s5, $0xC;
	s8 =	sshll.u32 s5, $0x15  }
0x7: {  	v8 =	vmul.u32 $0xFFFFFFFF, v0;
	s5 =	ssub.s32 $0x2, s5;
	s7 =	ssub.s32 $0x0, s7;
	s6 =	sor.u32 s8, s6  }
0x8: {  	s31 =	sshrl.u32 s5, $0x1;
	s8 =	simm.s32 $0x0;
	s7 =	sshra.s32 s7, $0x2  }
0x9: {  	v0 =	vmov s2;
	v1 =	vadd.s32 $0xFFE, v8;
	v2 =	vadd.s32 $0x1005, v8;
	s6 =	sshrl.u32 s6, $0x3;
	s5 =	ssub.s32 s5, s31;
	s7 =	sadd.s32 $0x10000, s7  }
0xa: {  	v3 =	vadd.s32 $0x1004, v8;
	v4 =	vadd.s32 $0x1003, v8;
	v5 =	vadd.s32 $0x1002, v8;
	s6 =	sadd.s32 s6, s4;
	s4 =	smax.u32 s5, $0x1;
	[dreg:$0x3] =	wrdreg s7  }
0xb: {  	v6 =	vadd.s32 $0x1001, v8;
	v7 =	vadd.s32 $0x1000, v8;
	v8 =	vadd.s32 $0xFFF, v8;
	s5 =	sadd.s32 $0xF00, s6;
	s6 =	simm.s32 $0x2;
	s7 =	simm.s32 $0x1  }
.LBB2_1:
0xc: {  	v9 =	vmov s3  }
0xd: {  	v10 =	vsub.s32 v1, v9  }
0xe: {  	vm0 =	vgt.s32 v10, $0x0  }
0xf: {  	v10 =	vnsel vm0, $0x0, v10  }
0x10: {  	v10 =	vmin.u32 v10, $0xFFE  }
0x11: {  	v10 =	vshll.u32 v10, $0x4  }
0x12: {  	v10 =	vor.u32 v0, v10  }
0x13: {  	[tilespmem:s3], [sflag:$0x2] =	stream.linear.gather [hbm4b:s1+s3], $0x10000, $0x38;
	[tilespmem:$0x18000] =	vst v63  }
0x14: {  	_ =	swait.ge [sflag:s6], $0x10000  }
0x15: {  	v11 =	vsub.s32 v2, v9;
	[sflag:s6] =	ssyncset.done $0x0  }
0x16: {  	v11 =	vmin.u32 v11, $0xFFE;
	[sflag:s6] =	ssyncadd.s32 $0xFFFF0000  }
0x17: {  	v11 =	vshll.u32 v11, $0x4;
	v10 =	vld.idx.msk [tilespmem:v10+s3+$0x0], $0xffff  }
0x18: {  	v11 =	vor.u32 v0, v11;
	_ =	sdelay $0x2  }
0x19: {  	s9 =	simm.s32 $0x10000;
	v12 =	vsub.s32 v3, v9  }
0x1a: {  	[tilespmem:s9+$0x0] =	vst v10;
	v10 =	vmin.u32 v12, $0xFFE  }
0x1b: {  	v11 =	vld.idx.msk [tilespmem:v11+s3+$0x0], $0xffff;
	v10 =	vshll.u32 v10, $0x4  }
0x1c: {  	v10 =	vor.u32 v0, v10;
	_ =	sdelay $0x2  }
0x1d: {  	s12 =	sand.u32 $0xFF0, s3;
	v60 =	vsub.s32 v4, v9  }
0x1e: {  	[tilespmem:s12+$0x11000] =	vst v11;
	v11 =	vmin.u32 v60, $0xFFE  }
0x1f: {  	v10 =	vld.idx.msk [tilespmem:v10+s3+$0x0], $0xffff;
	v11 =	vshll.u32 v11, $0x4  }
0x20: {  	v11 =	vor.u32 v0, v11;
	_ =	sdelay $0x2  }
0x21: {  	v61 =	vsub.s32 v5, v9  }
0x22: {  	[tilespmem:s12+$0x12000] =	vst v10;
	v10 =	vmin.u32 v61, $0xFFE  }
0x23: {  	v11 =	vld.idx.msk [tilespmem:v11+s3+$0x0], $0xffff;
	v10 =	vshll.u32 v10, $0x4  }
0x24: {  	v10 =	vor.u32 v0, v10;
	_ =	sdelay $0x2  }
0x25: {  	v62 =	vsub.s32 v6, v9  }
0x26: {  	[tilespmem:s12+$0x13000] =	vst v11;
	v11 =	vmin.u32 v62, $0xFFE  }
0x27: {  	v10 =	vld.idx.msk [tilespmem:v10+s3+$0x0], $0xffff;
	v11 =	vshll.u32 v11, $0x4  }
0x28: {  	v11 =	vor.u32 v0, v11;
	_ =	sdelay $0x2  }
0x29: {  	v63 =	vsub.s32 v7, v9  }
0x2a: {  	[tilespmem:s12+$0x14000] =	vst v10;
	v10 =	vmin.u32 v63, $0xFFE  }
0x2b: {  	v11 =	vld.idx.msk [tilespmem:v11+s3+$0x0], $0xffff;
	v10 =	vshll.u32 v10, $0x4  }
0x2c: {  	v10 =	vor.u32 v0, v10;
	_ =	sdelay $0x2  }
0x2d: {  	v9 =	vsub.s32 v8, v9  }
0x2e: {  	v9 =	vmin.u32 v9, $0xFFE;
	[tilespmem:s12+$0x15000] =	vst v11  }
0x2f: {  	v9 =	vshll.u32 v9, $0x4;
	v10 =	vld.idx.msk [tilespmem:v10+s3+$0x0], $0xffff  }
0x30: {  	s10 =	simm.s32 $0x10;
	v11 =	vor.u32 v0, v9  }
0x31: {  	s13 =	simm.s32 $0x20;
	s11 =	simm.s32 $0x0;
	v9 =	vmov s10  }
.LBB2_2:
0x32: {  	p0 =	sne.s32 s13, $0xFF0;
	v12 =	vsub.s32 v1, v9  }
0x33: {  	vm0 =	vgt.s32 v12, $0x0  }
0x34: {  	v12 =	vnsel vm0, $0x0, v12;
	[tilespmem:s12+$0x16000] =	vst v10  }
0x35: {  	v10 =	vmin.u32 v12, $0xFFE;
	v11 =	vld.idx.msk [tilespmem:v11+s11+$0x0], $0xffff  }
0x36: {  	v10 =	vshll.u32 v10, $0x4  }
0x37: {  	v10 =	vor.u32 v0, v10;
	_ =	sdelay $0x3  }
0x38: {  	s11 =	simm.s32 $0x0;
	v12 =	vsub.s32 v2, v9;
	[tilespmem:s12+$0x17000] =	vst v11  }
0x39: {  	v11 =	vmin.u32 v12, $0xFFE;
	v10 =	vld.idx.msk [tilespmem:v10+s11+$0x0], $0xffff  }
0x3a: {  	v11 =	vshll.u32 v11, $0x4  }
0x3b: {  	v11 =	vor.u32 v0, v11;
	_ =	sdelay $0x2  }
0x3c: {  	s9 =	sadd.s32 $0x10, s9  }
0x3d: {  	[tilespmem:s9+$0x0] =	vst v10;
	v10 =	vsub.s32 v3, v9  }
0x3e: {  	v11 =	vld.idx.msk [tilespmem:v11+s11+$0x0], $0xffff;
	v10 =	vmin.u32 v10, $0xFFE  }
0x3f: {  	v10 =	vshll.u32 v10, $0x4  }
0x40: {  	v10 =	vor.u32 v0, v10;
	_ =	sdelay $0x2  }
0x41: {  	s12 =	sand.u32 $0xFF0, s10;
	s10 =	smov.u32 s13  }
0x42: {  	[tilespmem:s12+$0x11000] =	vst v11;
	v11 =	vsub.s32 v4, v9  }
0x43: {  	v10 =	vld.idx.msk [tilespmem:v10+s11+$0x0], $0xffff;
	v11 =	vmin.u32 v11, $0xFFE  }
0x44: {  	v11 =	vshll.u32 v11, $0x4  }
0x45: {  	v11 =	vor.u32 v0, v11;
	_ =	sdelay $0x3  }
0x46: {  	[tilespmem:s12+$0x12000] =	vst v10;
	v10 =	vsub.s32 v5, v9  }
0x47: {  	v11 =	vld.idx.msk [tilespmem:v11+s11+$0x0], $0xffff;
	v10 =	vmin.u32 v10, $0xFFE  }
0x48: {  	v10 =	vshll.u32 v10, $0x4  }
0x49: {  	v10 =	vor.u32 v0, v10;
	_ =	sdelay $0x3  }
0x4a: {  	[tilespmem:s12+$0x13000] =	vst v11;
	v11 =	vsub.s32 v6, v9  }
0x4b: {  	v10 =	vld.idx.msk [tilespmem:v10+s11+$0x0], $0xffff;
	v11 =	vmin.u32 v11, $0xFFE  }
0x4c: {  	v11 =	vshll.u32 v11, $0x4  }
0x4d: {  	v11 =	vor.u32 v0, v11;
	_ =	sdelay $0x3  }
0x4e: {  	[tilespmem:s12+$0x14000] =	vst v10;
	v10 =	vsub.s32 v7, v9  }
0x4f: {  	v11 =	vld.idx.msk [tilespmem:v11+s11+$0x0], $0xffff;
	v10 =	vmin.u32 v10, $0xFFE  }
0x50: {  	v10 =	vshll.u32 v10, $0x4  }
0x51: {  	v10 =	vor.u32 v0, v10;
	_ =	sdelay $0x3  }
.Ltmp0:
0x52: {  	v9 =	vsub.s32 v8, v9;
	[tilespmem:s12+$0x15000] =	vst v11;
	(pc) =	sbr.rel @p0 .LBB2_2-.Ltmp0, $4  }
0x53: {  	v9 =	vmin.u32 v9, $0xFFE;
	v10 =	vld.idx.msk [tilespmem:v10+s11+$0x0], $0xffff  }
0x54: {  	v9 =	vshll.u32 v9, $0x4  }
0x55: {  	v11 =	vor.u32 v0, v9  }
0x56: {  	s13 =	sadd.s32 $0x10, s13;
	v9 =	vmov s10  }
0x57: {  	v12 =	vsub.s32 v1, v9  }
0x58: {  	vm0 =	vgt.s32 v12, $0x0  }
0x59: {  	v12 =	vnsel vm0, $0x0, v12  }
0x5a: {  	[tilespmem:s12+$0x16000] =	vst v10;
	v10 =	vmin.u32 v12, $0xFFE  }
0x5b: {  	v11 =	vld.idx.msk [tilespmem:v11+s11+$0x0], $0xffff;
	v10 =	vshll.u32 v10, $0x4  }
0x5c: {  	v10 =	vor.u32 v0, v10;
	_ =	sdelay $0x2  }
0x5d: {  	v58 =	vsub.s32 v2, v9  }
0x5e: {  	[tilespmem:s12+$0x17000] =	vst v11;
	v11 =	vmin.u32 v58, $0xFFE  }
0x5f: {  	v11 =	vshll.u32 v11, $0x4;
	v10 =	vld.idx.msk [tilespmem:v10+s11+$0x0], $0xffff  }
0x60: {  	v11 =	vor.u32 v0, v11;
	_ =	sdelay $0x2  }
0x61: {  	s9 =	sadd.s32 $0x10, s9;
	v59 =	vsub.s32 v3, v9  }
0x62: {  	[tilespmem:s9+$0x0] =	vst v10;
	v10 =	vmin.u32 v59, $0xFFE  }
0x63: {  	v11 =	vld.idx.msk [tilespmem:v11+s11+$0x0], $0xffff;
	v10 =	vshll.u32 v10, $0x4  }
0x64: {  	v10 =	vor.u32 v0, v10;
	_ =	sdelay $0x2  }
0x65: {  	s31 =	sand.u32 $0xFF0, s10;
	v60 =	vsub.s32 v4, v9  }
0x66: {  	[tilespmem:s31+$0x11000] =	vst v11;
	v11 =	vmin.u32 v60, $0xFFE  }
0x67: {  	v10 =	vld.idx.msk [tilespmem:v10+s11+$0x0], $0xffff;
	v11 =	vshll.u32 v11, $0x4  }
0x68: {  	v11 =	vor.u32 v0, v11;
	_ =	sdelay $0x2  }
0x69: {  	v61 =	vsub.s32 v5, v9  }
0x6a: {  	[tilespmem:s31+$0x12000] =	vst v10;
	v10 =	vmin.u32 v61, $0xFFE  }
0x6b: {  	v11 =	vld.idx.msk [tilespmem:v11+s11+$0x0], $0xffff;
	v10 =	vshll.u32 v10, $0x4  }
0x6c: {  	v10 =	vor.u32 v0, v10;
	_ =	sdelay $0x2  }
0x6d: {  	v62 =	vsub.s32 v6, v9  }
0x6e: {  	[tilespmem:s31+$0x13000] =	vst v11;
	v11 =	vmin.u32 v62, $0xFFE  }
0x6f: {  	v10 =	vld.idx.msk [tilespmem:v10+s11+$0x0], $0xffff;
	v11 =	vshll.u32 v11, $0x4  }
0x70: {  	v11 =	vor.u32 v0, v11;
	_ =	sdelay $0x2  }
0x71: {  	v63 =	vsub.s32 v7, v9  }
0x72: {  	[tilespmem:s31+$0x14000] =	vst v10;
	v10 =	vmin.u32 v63, $0xFFE  }
0x73: {  	v11 =	vld.idx.msk [tilespmem:v11+s11+$0x0], $0xffff;
	v10 =	vshll.u32 v10, $0x4  }
0x74: {  	v10 =	vor.u32 v0, v10;
	_ =	sdelay $0x2  }
0x75: {  	v9 =	vsub.s32 v8, v9  }
0x76: {  	v9 =	vmin.u32 v9, $0xFFE;
	[tilespmem:s31+$0x15000] =	vst v11  }
0x77: {  	v9 =	vshll.u32 v9, $0x4;
	v10 =	vld.idx.msk [tilespmem:v10+s11+$0x0], $0xffff  }
0x78: {  	v9 =	vor.u32 v0, v9;
	_ =	sdelay $0x3  }
0x79: {  	[tilespmem:s31+$0x16000] =	vst v10  }
0x7a: {  	p1 =	por $0x1, $0x1;
	v9 =	vld.idx.msk [tilespmem:v9+s11+$0x0], $0xffff  }
.Ltmp1:
0x7b: {  	_ = 	snop;
	(pc) =	sbr.rel @!p1 .LBB2_8-.Ltmp1, $2  }
0x7c: {  	_ =	sdelay $0x2  }
0x7d: {  	p0 =	por $0x0, $0x0;
	s10 =	smov.u32 s5;
	s9 =	simm.s32 $0xFFFFFFC0;
	[tilespmem:s31+$0x17000] =	vst v9  }
0x7e: {  	s10 =	rddreg [dreg:$0x3]  }
0x7f: {  	s10 =	sadd.s32 $0x0, s10  }
0x80: {  	s11 =	sadd.s32 $0xFFFFF100, s5;
	s12 =	sadd.s32 $0x7800, s10  }
0x81: {  	[hbm4b:s11+s3] =	stream.linear.scatter [tilespmem:s12], [sflag:$0x1], $0x800, $0x38;
	[tilespmem:$0x18000] =	vst v63  }
0x82: {  	s21 =	sadd.s32 $0xFFFFF200, s5;
	s22 =	sadd.s32 $0x6800, s10  }
0x83: {  	[hbm4b:s21+s3] =	stream.linear.scatter [tilespmem:s22], [sflag:$0x1], $0x800, $0x38;
	[tilespmem:$0x18000] =	vst v63  }
0x84: {  	s23 =	sadd.s32 $0xFFFFF300, s5;
	s24 =	sadd.s32 $0x5800, s10  }
0x85: {  	[hbm4b:s23+s3] =	stream.linear.scatter [tilespmem:s24], [sflag:$0x1], $0x800, $0x38;
	[tilespmem:$0x18000] =	vst v63  }
0x86: {  	s25 =	sadd.s32 $0xFFFFF400, s5;
	s26 =	sadd.s32 $0x4800, s10  }
0x87: {  	[hbm4b:s25+s3] =	stream.linear.scatter [tilespmem:s26], [sflag:$0x1], $0x800, $0x38;
	[tilespmem:$0x18000] =	vst v63  }
0x88: {  	s28 =	sadd.s32 $0xFFFFF500, s5;
	s29 =	sadd.s32 $0x3800, s10  }
0x89: {  	[hbm4b:s28+s3] =	stream.linear.scatter [tilespmem:s29], [sflag:$0x1], $0x800, $0x38;
	[tilespmem:$0x18000] =	vst v63  }
0x8a: {  	s30 =	sadd.s32 $0xFFFFF600, s5;
	s31 =	sadd.s32 $0x2800, s10  }
0x8b: {  	[hbm4b:s30+s3] =	stream.linear.scatter [tilespmem:s31], [sflag:$0x1], $0x800, $0x38;
	[tilespmem:$0x18000] =	vst v63  }
0x8c: {  	s13 =	sadd.s32 $0xFFFFF700, s5;
	s14 =	sadd.s32 $0x1800, s10  }
0x8d: {  	[hbm4b:s13+s3] =	stream.linear.scatter [tilespmem:s14], [sflag:$0x1], $0x800, $0x38;
	[tilespmem:$0x18000] =	vst v63  }
0x8e: {  	s15 =	sadd.s32 $0xFFFFF800, s5;
	s16 =	sadd.s32 $0x7F8, s10  }
0x8f: {  	[hbm4b:s15+s3] =	stream.linear.scatter [tilespmem:s16], [sflag:$0x1], $0x800, $0x38;
	[tilespmem:$0x18000] =	vst v63  }
0x90: {  	s17 =	sadd.s32 $0xFFFFF900, s5;
	s18 =	sadd.s32 $0x77F8, s10  }
0x91: {  	[hbm4b:s17+s3] =	stream.linear.scatter [tilespmem:s18], [sflag:$0x1], $0x800, $0x38;
	[tilespmem:$0x18000] =	vst v63  }
0x92: {  	s19 =	sadd.s32 $0xFFFFFA00, s5;
	s20 =	sadd.s32 $0x67F8, s10  }
0x93: {  	[hbm4b:s19+s3] =	stream.linear.scatter [tilespmem:s20], [sflag:$0x1], $0x800, $0x38;
	[tilespmem:$0x18000] =	vst v63  }
0x94: {  	s21 =	sadd.s32 $0xFFFFFB00, s5;
	s22 =	sadd.s32 $0x57F8, s10  }
0x95: {  	[hbm4b:s21+s3] =	stream.linear.scatter [tilespmem:s22], [sflag:$0x1], $0x800, $0x38;
	[tilespmem:$0x18000] =	vst v63  }
0x96: {  	s23 =	sadd.s32 $0xFFFFFC00, s5;
	s24 =	sadd.s32 $0x47F8, s10  }
0x97: {  	[hbm4b:s23+s3] =	stream.linear.scatter [tilespmem:s24], [sflag:$0x1], $0x800, $0x38;
	[tilespmem:$0x18000] =	vst v63  }
0x98: {  	s25 =	sadd.s32 $0xFFFFFD00, s5;
	s26 =	sadd.s32 $0x37F8, s10  }
0x99: {  	[hbm4b:s25+s3] =	stream.linear.scatter [tilespmem:s26], [sflag:$0x1], $0x800, $0x38;
	[tilespmem:$0x18000] =	vst v63  }
0x9a: {  	s28 =	sadd.s32 $0xFFFFFE00, s5;
	s29 =	sadd.s32 $0x27F8, s10  }
0x9b: {  	[hbm4b:s28+s3] =	stream.linear.scatter [tilespmem:s29], [sflag:$0x1], $0x800, $0x38;
	[tilespmem:$0x18000] =	vst v63  }
0x9c: {  	p2 =	por $0x1, $0x1;
	s30 =	sadd.s32 $0xFFFFFF00, s5;
	s31 =	sadd.s32 $0x17F8, s10  }
0x9d: {  	[hbm4b:s30+s3] =	stream.linear.scatter [tilespmem:s31], [sflag:$0x1], $0x800, $0x38;
	[tilespmem:$0x18000] =	vst v63  }
0x9e: {  	s12 =	simm.s32 @!p2 $0x1;
	s10 =	sadd.s32 $0x7F0, s10  }
0x9f: {  	[hbm4b:s5+s3] =	stream.linear.scatter [tilespmem:s10], [sflag:$0x1], $0x800, $0x38;
	[tilespmem:$0x18000] =	vst v63  }
0xa0: {  	_ =	swait.ge @!p2 [sflag:s12], $0x800  }
0xa1: {  	[sflag:s12] =	ssyncset.done @!p2 $0x0  }
0xa2: {  	[sflag:s12] =	ssyncadd.s32 @!p2 $0xFFFFF800  }
0xa3: {  	_ =	swait.ge @!p2 [sflag:s12], $0x800  }
0xa4: {  	[sflag:s12] =	ssyncset.done @!p2 $0x0  }
0xa5: {  	[sflag:s12] =	ssyncadd.s32 @!p2 $0xFFFFF800  }
0xa6: {  	_ =	swait.ge @!p2 [sflag:s12], $0x800  }
0xa7: {  	[sflag:s12] =	ssyncset.done @!p2 $0x0  }
0xa8: {  	[sflag:s12] =	ssyncadd.s32 @!p2 $0xFFFFF800  }
0xa9: {  	_ =	swait.ge @!p2 [sflag:s12], $0x800  }
0xaa: {  	[sflag:s12] =	ssyncset.done @!p2 $0x0  }
0xab: {  	[sflag:s12] =	ssyncadd.s32 @!p2 $0xFFFFF800  }
0xac: {  	_ =	swait.ge @!p2 [sflag:s12], $0x800  }
0xad: {  	[sflag:s12] =	ssyncset.done @!p2 $0x0  }
0xae: {  	[sflag:s12] =	ssyncadd.s32 @!p2 $0xFFFFF800  }
0xaf: {  	_ =	swait.ge @!p2 [sflag:s12], $0x800  }
0xb0: {  	[sflag:s12] =	ssyncset.done @!p2 $0x0  }
0xb1: {  	[sflag:s12] =	ssyncadd.s32 @!p2 $0xFFFFF800  }
0xb2: {  	_ =	swait.ge @!p2 [sflag:s12], $0x800  }
0xb3: {  	[sflag:s12] =	ssyncset.done @!p2 $0x0  }
0xb4: {  	[sflag:s12] =	ssyncadd.s32 @!p2 $0xFFFFF800  }
0xb5: {  	_ =	swait.ge @!p2 [sflag:s12], $0x800  }
0xb6: {  	[sflag:s12] =	ssyncset.done @!p2 $0x0  }
0xb7: {  	[sflag:s12] =	ssyncadd.s32 @!p2 $0xFFFFF800  }
0xb8: {  	_ =	swait.ge @!p2 [sflag:s12], $0x800  }
0xb9: {  	[sflag:s12] =	ssyncset.done @!p2 $0x0  }
0xba: {  	[sflag:s12] =	ssyncadd.s32 @!p2 $0xFFFFF800  }
0xbb: {  	_ =	swait.ge @!p2 [sflag:s12], $0x800  }
0xbc: {  	[sflag:s12] =	ssyncset.done @!p2 $0x0  }
0xbd: {  	[sflag:s12] =	ssyncadd.s32 @!p2 $0xFFFFF800  }
0xbe: {  	_ =	swait.ge @!p2 [sflag:s12], $0x800  }
0xbf: {  	[sflag:s12] =	ssyncset.done @!p2 $0x0  }
0xc0: {  	[sflag:s12] =	ssyncadd.s32 @!p2 $0xFFFFF800  }
0xc1: {  	_ =	swait.ge @!p2 [sflag:s12], $0x800  }
0xc2: {  	[sflag:s12] =	ssyncset.done @!p2 $0x0  }
0xc3: {  	[sflag:s12] =	ssyncadd.s32 @!p2 $0xFFFFF800  }
0xc4: {  	_ =	swait.ge @!p2 [sflag:s12], $0x800  }
0xc5: {  	[sflag:s12] =	ssyncset.done @!p2 $0x0  }
0xc6: {  	[sflag:s12] =	ssyncadd.s32 @!p2 $0xFFFFF800  }
0xc7: {  	_ =	swait.ge @!p2 [sflag:s12], $0x800  }
0xc8: {  	p1 =	por $0x1, $0x1;
	[sflag:s12] =	ssyncset.done @!p2 $0x0  }
.Ltmp2:
0xc9: {  	[sflag:s12] =	ssyncadd.s32 @!p2 $0xFFFFF800;
	(pc) =	sbr.rel @!p1 .LBB2_5-.Ltmp2, $4  }
0xca: {  	_ =	swait.ge @!p2 [sflag:s12], $0x800  }
0xcb: {  	[sflag:s12] =	ssyncset.done @!p2 $0x0  }
0xcc: {  	p0 =	por $0x1, $0x1;
	[sflag:s12] =	ssyncadd.s32 @!p2 $0xFFFFF800  }
0xcd: {  	s11 =	simm.s32 $0xFFFFFF80;
	s10 =	sadd.s32 $0x1000, s5;
	_ =	swait.ge @!p2 [sflag:s12], $0x800  }
.LBB2_6:
0xce: {  	s14 =	rddreg [dreg:$0x3];
	[sflag:s12] =	ssyncset.done @!p2 $0x0;
	s17 =	sshra.s32 s9, $0x2  }
0xcf: {  	[sflag:s12] =	ssyncadd.s32 @!p2 $0xFFFFF800;
	s12 =	sadd.s32 s17, s14  }
0xd0: {  	s18 =	sadd.s32 $0xFFFFF100, s10;
	s15 =	sadd.s32 $0x7800, s12  }
0xd1: {  	[hbm4b:s18+s3] =	stream.linear.scatter [tilespmem:s15], [sflag:$0x1], $0x800, $0x38;
	[tilespmem:$0x18000] =	vst v63  }
0xd2: {  	s19 =	sadd.s32 $0xFFFFF200, s10;
	s20 =	sadd.s32 $0x6800, s12  }
0xd3: {  	[hbm4b:s19+s3] =	stream.linear.scatter [tilespmem:s20], [sflag:$0x1], $0x800, $0x38;
	[tilespmem:$0x18000] =	vst v63  }
0xd4: {  	s21 =	sadd.s32 $0xFFFFF300, s10;
	s22 =	sadd.s32 $0x5800, s12  }
0xd5: {  	[hbm4b:s21+s3] =	stream.linear.scatter [tilespmem:s22], [sflag:$0x1], $0x800, $0x38;
	[tilespmem:$0x18000] =	vst v63  }
0xd6: {  	s23 =	sadd.s32 $0xFFFFF400, s10;
	s24 =	sadd.s32 $0x4800, s12  }
0xd7: {  	[hbm4b:s23+s3] =	stream.linear.scatter [tilespmem:s24], [sflag:$0x1], $0x800, $0x38;
	[tilespmem:$0x18000] =	vst v63  }
0xd8: {  	s25 =	sadd.s32 $0xFFFFF500, s10;
	s26 =	sadd.s32 $0x3800, s12  }
0xd9: {  	[hbm4b:s25+s3] =	stream.linear.scatter [tilespmem:s26], [sflag:$0x1], $0x800, $0x38;
	[tilespmem:$0x18000] =	vst v63  }
0xda: {  	s28 =	sadd.s32 $0xFFFFF600, s10;
	s29 =	sadd.s32 $0x2800, s12  }
0xdb: {  	[hbm4b:s28+s3] =	stream.linear.scatter [tilespmem:s29], [sflag:$0x1], $0x800, $0x38;
	[tilespmem:$0x18000] =	vst v63  }
0xdc: {  	s30 =	sadd.s32 $0xFFFFF700, s10;
	s31 =	sadd.s32 $0x1800, s12  }
0xdd: {  	[hbm4b:s30+s3] =	stream.linear.scatter [tilespmem:s31], [sflag:$0x1], $0x800, $0x38;
	[tilespmem:$0x18000] =	vst v63  }
0xde: {  	s16 =	sadd.s32 $0x7F8, s12;
	s15 =	sadd.s32 $0xFFFFF800, s10  }
0xdf: {  	[hbm4b:s15+s3] =	stream.linear.scatter [tilespmem:s16], [sflag:$0x1], $0x800, $0x38;
	[tilespmem:$0x18000] =	vst v63  }
0xe0: {  	s17 =	sadd.s32 $0xFFFFF900, s10;
	s18 =	sadd.s32 $0x77F8, s12  }
0xe1: {  	[hbm4b:s17+s3] =	stream.linear.scatter [tilespmem:s18], [sflag:$0x1], $0x800, $0x38;
	[tilespmem:$0x18000] =	vst v63  }
0xe2: {  	s19 =	sadd.s32 $0xFFFFFA00, s10;
	s20 =	sadd.s32 $0x67F8, s12  }
0xe3: {  	[hbm4b:s19+s3] =	stream.linear.scatter [tilespmem:s20], [sflag:$0x1], $0x800, $0x38;
	[tilespmem:$0x18000] =	vst v63  }
0xe4: {  	s21 =	sadd.s32 $0xFFFFFB00, s10;
	s22 =	sadd.s32 $0x57F8, s12  }
0xe5: {  	[hbm4b:s21+s3] =	stream.linear.scatter [tilespmem:s22], [sflag:$0x1], $0x800, $0x38;
	[tilespmem:$0x18000] =	vst v63  }
0xe6: {  	s23 =	sadd.s32 $0xFFFFFC00, s10;
	s24 =	sadd.s32 $0x47F8, s12  }
0xe7: {  	[hbm4b:s23+s3] =	stream.linear.scatter [tilespmem:s24], [sflag:$0x1], $0x800, $0x38;
	[tilespmem:$0x18000] =	vst v63  }
0xe8: {  	s25 =	sadd.s32 $0xFFFFFD00, s10;
	s26 =	sadd.s32 $0x37F8, s12  }
0xe9: {  	[hbm4b:s25+s3] =	stream.linear.scatter [tilespmem:s26], [sflag:$0x1], $0x800, $0x38;
	[tilespmem:$0x18000] =	vst v63  }
0xea: {  	s28 =	sadd.s32 $0xFFFFFE00, s10;
	s29 =	sadd.s32 $0x27F8, s12  }
0xeb: {  	[hbm4b:s28+s3] =	stream.linear.scatter [tilespmem:s29], [sflag:$0x1], $0x800, $0x38;
	[tilespmem:$0x18000] =	vst v63  }
0xec: {  	s30 =	sadd.s32 $0xFFFFFF00, s10;
	s31 =	sadd.s32 $0x17F8, s12  }
0xed: {  	[hbm4b:s30+s3] =	stream.linear.scatter [tilespmem:s31], [sflag:$0x1], $0x800, $0x38;
	[tilespmem:$0x18000] =	vst v63  }
0xee: {  	p2 =	seq.s32 s9, $0x0;
	s12 =	sadd.s32 $0x7F0, s12  }
0xef: {  	[hbm4b:s10+s3] =	stream.linear.scatter [tilespmem:s12], [sflag:$0x1], $0x800, $0x38;
	[tilespmem:$0x18000] =	vst v63  }
0xf0: {  	s12 =	simm.s32 @!p2 $0x1  }
0xf1: {  	_ =	swait.ge @!p2 [sflag:s12], $0x800  }
0xf2: {  	[sflag:s12] =	ssyncset.done @!p2 $0x0  }
0xf3: {  	[sflag:s12] =	ssyncadd.s32 @!p2 $0xFFFFF800  }
0xf4: {  	_ =	swait.ge @!p2 [sflag:s12], $0x800  }
0xf5: {  	[sflag:s12] =	ssyncset.done @!p2 $0x0  }
0xf6: {  	[sflag:s12] =	ssyncadd.s32 @!p2 $0xFFFFF800  }
0xf7: {  	_ =	swait.ge @!p2 [sflag:s12], $0x800  }
0xf8: {  	[sflag:s12] =	ssyncset.done @!p2 $0x0  }
0xf9: {  	[sflag:s12] =	ssyncadd.s32 @!p2 $0xFFFFF800  }
0xfa: {  	_ =	swait.ge @!p2 [sflag:s12], $0x800  }
0xfb: {  	[sflag:s12] =	ssyncset.done @!p2 $0x0  }
0xfc: {  	[sflag:s12] =	ssyncadd.s32 @!p2 $0xFFFFF800  }
0xfd: {  	_ =	swait.ge @!p2 [sflag:s12], $0x800  }
0xfe: {  	[sflag:s12] =	ssyncset.done @!p2 $0x0  }
0xff: {  	[sflag:s12] =	ssyncadd.s32 @!p2 $0xFFFFF800  }
0x100: {  	_ =	swait.ge @!p2 [sflag:s12], $0x800  }
0x101: {  	[sflag:s12] =	ssyncset.done @!p2 $0x0  }
0x102: {  	[sflag:s12] =	ssyncadd.s32 @!p2 $0xFFFFF800  }
0x103: {  	_ =	swait.ge @!p2 [sflag:s12], $0x800  }
0x104: {  	[sflag:s12] =	ssyncset.done @!p2 $0x0  }
0x105: {  	[sflag:s12] =	ssyncadd.s32 @!p2 $0xFFFFF800  }
0x106: {  	_ =	swait.ge @!p2 [sflag:s12], $0x800  }
0x107: {  	[sflag:s12] =	ssyncset.done @!p2 $0x0  }
0x108: {  	[sflag:s12] =	ssyncadd.s32 @!p2 $0xFFFFF800  }
0x109: {  	_ =	swait.ge @!p2 [sflag:s12], $0x800  }
0x10a: {  	[sflag:s12] =	ssyncset.done @!p2 $0x0  }
0x10b: {  	[sflag:s12] =	ssyncadd.s32 @!p2 $0xFFFFF800  }
0x10c: {  	_ =	swait.ge @!p2 [sflag:s12], $0x800  }
0x10d: {  	[sflag:s12] =	ssyncset.done @!p2 $0x0  }
0x10e: {  	[sflag:s12] =	ssyncadd.s32 @!p2 $0xFFFFF800  }
0x10f: {  	_ =	swait.ge @!p2 [sflag:s12], $0x800  }
0x110: {  	[sflag:s12] =	ssyncset.done @!p2 $0x0  }
0x111: {  	[sflag:s12] =	ssyncadd.s32 @!p2 $0xFFFFF800  }
0x112: {  	_ =	swait.ge @!p2 [sflag:s12], $0x800  }
0x113: {  	[sflag:s12] =	ssyncset.done @!p2 $0x0  }
0x114: {  	[sflag:s12] =	ssyncadd.s32 @!p2 $0xFFFFF800  }
0x115: {  	_ =	swait.ge @!p2 [sflag:s12], $0x800  }
0x116: {  	[sflag:s12] =	ssyncset.done @!p2 $0x0  }
0x117: {  	[sflag:s12] =	ssyncadd.s32 @!p2 $0xFFFFF800  }
0x118: {  	s13 =	smov.u32 s11;
	s11 =	sadd.s32 $0xFFFFFFC0, s11;
	_ =	swait.ge @!p2 [sflag:s12], $0x800  }
0x119: {  	p1 =	sne.s32 s11, $0xFFFFF000;
	[sflag:s12] =	ssyncset.done @!p2 $0x0  }
.Ltmp3:
0x11a: {  	[sflag:s12] =	ssyncadd.s32 @!p2 $0xFFFFF800;
	(pc) =	sbr.rel @p1 .LBB2_6-.Ltmp3, $4  }
0x11b: {  	_ =	swait.ge @!p2 [sflag:s12], $0x800  }
0x11c: {  	[sflag:s12] =	ssyncset.done @!p2 $0x0  }
0x11d: {  	[sflag:s12] =	ssyncadd.s32 @!p2 $0xFFFFF800  }
0x11e: {  	s9 =	smov.u32 s13;
	s10 =	sadd.s32 $0x1000, s10;
	_ =	swait.ge @!p2 [sflag:s12], $0x800  }
0x11f: {  	s11 =	smov.u32 s9  }
.LBB2_8:
0x120: {  	s9 =	rddreg [dreg:$0x3];
	p0 =	por p2, !p0;
	s13 =	sshra.s32 s11, $0x2  }
0x121: {  	[sflag:s12] =	ssyncset.done @!p0 $0x0;
	s9 =	sadd.s32 s13, s9  }
0x122: {  	s20 =	sadd.s32 $0xFFFFF100, s10;
	[sflag:s12] =	ssyncadd.s32 @!p0 $0xFFFFF800;
	s13 =	sadd.s32 $0x7800, s9  }
0x123: {  	[hbm4b:s20+s3] =	stream.linear.scatter [tilespmem:s13], [sflag:$0x1], $0x800, $0x38;
	[tilespmem:$0x18000] =	vst v63  }
0x124: {  	s21 =	sadd.s32 $0xFFFFF200, s10;
	s22 =	sadd.s32 $0x6800, s9  }
0x125: {  	[hbm4b:s21+s3] =	stream.linear.scatter [tilespmem:s22], [sflag:$0x1], $0x800, $0x38;
	[tilespmem:$0x18000] =	vst v63  }
0x126: {  	s23 =	sadd.s32 $0xFFFFF300, s10;
	s24 =	sadd.s32 $0x5800, s9  }
0x127: {  	[hbm4b:s23+s3] =	stream.linear.scatter [tilespmem:s24], [sflag:$0x1], $0x800, $0x38;
	[tilespmem:$0x18000] =	vst v63  }
0x128: {  	s25 =	sadd.s32 $0xFFFFF400, s10;
	s26 =	sadd.s32 $0x4800, s9  }
0x129: {  	[hbm4b:s25+s3] =	stream.linear.scatter [tilespmem:s26], [sflag:$0x1], $0x800, $0x38;
	[tilespmem:$0x18000] =	vst v63  }
0x12a: {  	s28 =	sadd.s32 $0xFFFFF500, s10;
	s29 =	sadd.s32 $0x3800, s9  }
0x12b: {  	[hbm4b:s28+s3] =	stream.linear.scatter [tilespmem:s29], [sflag:$0x1], $0x800, $0x38;
	[tilespmem:$0x18000] =	vst v63  }
0x12c: {  	s30 =	sadd.s32 $0xFFFFF600, s10;
	s31 =	sadd.s32 $0x2800, s9  }
0x12d: {  	[hbm4b:s30+s3] =	stream.linear.scatter [tilespmem:s31], [sflag:$0x1], $0x800, $0x38;
	[tilespmem:$0x18000] =	vst v63  }
0x12e: {  	s14 =	sadd.s32 $0x1800, s9;
	s13 =	sadd.s32 $0xFFFFF700, s10  }
0x12f: {  	[hbm4b:s13+s3] =	stream.linear.scatter [tilespmem:s14], [sflag:$0x1], $0x800, $0x38;
	[tilespmem:$0x18000] =	vst v63  }
0x130: {  	s15 =	sadd.s32 $0xFFFFF800, s10;
	s16 =	sadd.s32 $0x7F8, s9  }
0x131: {  	[hbm4b:s15+s3] =	stream.linear.scatter [tilespmem:s16], [sflag:$0x1], $0x800, $0x38;
	[tilespmem:$0x18000] =	vst v63  }
0x132: {  	s17 =	sadd.s32 $0xFFFFF900, s10;
	s18 =	sadd.s32 $0x77F8, s9  }
0x133: {  	[hbm4b:s17+s3] =	stream.linear.scatter [tilespmem:s18], [sflag:$0x1], $0x800, $0x38;
	[tilespmem:$0x18000] =	vst v63  }
0x134: {  	s19 =	sadd.s32 $0xFFFFFA00, s10;
	s20 =	sadd.s32 $0x67F8, s9  }
0x135: {  	[hbm4b:s19+s3] =	stream.linear.scatter [tilespmem:s20], [sflag:$0x1], $0x800, $0x38;
	[tilespmem:$0x18000] =	vst v63  }
0x136: {  	s21 =	sadd.s32 $0xFFFFFB00, s10;
	s22 =	sadd.s32 $0x57F8, s9  }
0x137: {  	[hbm4b:s21+s3] =	stream.linear.scatter [tilespmem:s22], [sflag:$0x1], $0x800, $0x38;
	[tilespmem:$0x18000] =	vst v63  }
0x138: {  	s23 =	sadd.s32 $0xFFFFFC00, s10;
	s24 =	sadd.s32 $0x47F8, s9  }
0x139: {  	[hbm4b:s23+s3] =	stream.linear.scatter [tilespmem:s24], [sflag:$0x1], $0x800, $0x38;
	[tilespmem:$0x18000] =	vst v63  }
0x13a: {  	s25 =	sadd.s32 $0xFFFFFD00, s10;
	s26 =	sadd.s32 $0x37F8, s9  }
0x13b: {  	[hbm4b:s25+s3] =	stream.linear.scatter [tilespmem:s26], [sflag:$0x1], $0x800, $0x38;
	[tilespmem:$0x18000] =	vst v63  }
0x13c: {  	s28 =	sadd.s32 $0xFFFFFE00, s10;
	s29 =	sadd.s32 $0x27F8, s9  }
0x13d: {  	[hbm4b:s28+s3] =	stream.linear.scatter [tilespmem:s29], [sflag:$0x1], $0x800, $0x38;
	[tilespmem:$0x18000] =	vst v63  }
0x13e: {  	s30 =	sadd.s32 $0xFFFFFF00, s10;
	s31 =	sadd.s32 $0x17F8, s9  }
0x13f: {  	[hbm4b:s30+s3] =	stream.linear.scatter [tilespmem:s31], [sflag:$0x1], $0x800, $0x38;
	[tilespmem:$0x18000] =	vst v63  }
0x140: {  	p0 =	seq.s32 s11, $0x0;
	s9 =	sadd.s32 $0x7F0, s9  }
0x141: {  	[hbm4b:s10+s3] =	stream.linear.scatter [tilespmem:s9], [sflag:$0x1], $0x800, $0x38;
	[tilespmem:$0x18000] =	vst v63  }
0x142: {  	s9 =	simm.s32 @!p0 $0x1  }
0x143: {  	_ =	swait.ge @!p0 [sflag:s9], $0x800  }
0x144: {  	[sflag:s9] =	ssyncset.done @!p0 $0x0  }
0x145: {  	[sflag:s9] =	ssyncadd.s32 @!p0 $0xFFFFF800  }
0x146: {  	_ =	swait.ge @!p0 [sflag:s9], $0x800  }
0x147: {  	[sflag:s9] =	ssyncset.done @!p0 $0x0  }
0x148: {  	[sflag:s9] =	ssyncadd.s32 @!p0 $0xFFFFF800  }
0x149: {  	_ =	swait.ge @!p0 [sflag:s9], $0x800  }
0x14a: {  	[sflag:s9] =	ssyncset.done @!p0 $0x0  }
0x14b: {  	[sflag:s9] =	ssyncadd.s32 @!p0 $0xFFFFF800  }
0x14c: {  	_ =	swait.ge @!p0 [sflag:s9], $0x800  }
0x14d: {  	[sflag:s9] =	ssyncset.done @!p0 $0x0  }
0x14e: {  	[sflag:s9] =	ssyncadd.s32 @!p0 $0xFFFFF800  }
0x14f: {  	_ =	swait.ge @!p0 [sflag:s9], $0x800  }
0x150: {  	[sflag:s9] =	ssyncset.done @!p0 $0x0  }
0x151: {  	[sflag:s9] =	ssyncadd.s32 @!p0 $0xFFFFF800  }
0x152: {  	_ =	swait.ge @!p0 [sflag:s9], $0x800  }
0x153: {  	[sflag:s9] =	ssyncset.done @!p0 $0x0  }
0x154: {  	[sflag:s9] =	ssyncadd.s32 @!p0 $0xFFFFF800  }
0x155: {  	_ =	swait.ge @!p0 [sflag:s9], $0x800  }
0x156: {  	[sflag:s9] =	ssyncset.done @!p0 $0x0  }
0x157: {  	[sflag:s9] =	ssyncadd.s32 @!p0 $0xFFFFF800  }
0x158: {  	_ =	swait.ge @!p0 [sflag:s9], $0x800  }
0x159: {  	[sflag:s9] =	ssyncset.done @!p0 $0x0  }
0x15a: {  	[sflag:s9] =	ssyncadd.s32 @!p0 $0xFFFFF800  }
0x15b: {  	_ =	swait.ge @!p0 [sflag:s9], $0x800  }
0x15c: {  	[sflag:s9] =	ssyncset.done @!p0 $0x0  }
0x15d: {  	[sflag:s9] =	ssyncadd.s32 @!p0 $0xFFFFF800  }
0x15e: {  	_ =	swait.ge @!p0 [sflag:s9], $0x800  }
0x15f: {  	[sflag:s9] =	ssyncset.done @!p0 $0x0  }
0x160: {  	[sflag:s9] =	ssyncadd.s32 @!p0 $0xFFFFF800  }
0x161: {  	_ =	swait.ge @!p0 [sflag:s9], $0x800  }
0x162: {  	[sflag:s9] =	ssyncset.done @!p0 $0x0  }
0x163: {  	[sflag:s9] =	ssyncadd.s32 @!p0 $0xFFFFF800  }
0x164: {  	_ =	swait.ge @!p0 [sflag:s9], $0x800  }
0x165: {  	[sflag:s9] =	ssyncset.done @!p0 $0x0  }
0x166: {  	[sflag:s9] =	ssyncadd.s32 @!p0 $0xFFFFF800  }
0x167: {  	_ =	swait.ge @!p0 [sflag:s9], $0x800  }
0x168: {  	[sflag:s9] =	ssyncset.done @!p0 $0x0  }
0x169: {  	[sflag:s9] =	ssyncadd.s32 @!p0 $0xFFFFF800  }
0x16a: {  	_ =	swait.ge @!p0 [sflag:s9], $0x800  }
0x16b: {  	[sflag:s9] =	ssyncset.done @!p0 $0x0  }
0x16c: {  	[sflag:s9] =	ssyncadd.s32 @!p0 $0xFFFFF800  }
0x16d: {  	_ =	swait.ge @!p0 [sflag:s9], $0x800  }
0x16e: {  	[sflag:s9] =	ssyncset.done @!p0 $0x0  }
0x16f: {  	[sflag:s9] =	ssyncadd.s32 @!p0 $0xFFFFF800  }
0x170: {  	_ =	swait.ge @!p0 [sflag:s9], $0x800  }
0x171: {  	[sflag:s9] =	ssyncset.done @!p0 $0x0  }
0x172: {  	[sflag:s9] =	ssyncadd.s32 @!p0 $0xFFFFF800  }
0x173: {  	_ =	swait.ge [sflag:s7], $0x800  }
0x174: {  	[sflag:s7] =	ssyncset.done $0x0  }
0x175: {  	[sflag:s7] =	ssyncadd.s32 $0xFFFFF800  }
0x176: {  	_ =	swait.ge [sflag:s7], $0x800  }
0x177: {  	[sflag:s7] =	ssyncset.done $0x0  }
0x178: {  	[sflag:s7] =	ssyncadd.s32 $0xFFFFF800  }
0x179: {  	_ =	swait.ge [sflag:s7], $0x800  }
0x17a: {  	[sflag:s7] =	ssyncset.done $0x0  }
0x17b: {  	[sflag:s7] =	ssyncadd.s32 $0xFFFFF800  }
0x17c: {  	_ =	swait.ge [sflag:s7], $0x800  }
0x17d: {  	[sflag:s7] =	ssyncset.done $0x0  }
0x17e: {  	[sflag:s7] =	ssyncadd.s32 $0xFFFFF800  }
0x17f: {  	_ =	swait.ge [sflag:s7], $0x800  }
0x180: {  	[sflag:s7] =	ssyncset.done $0x0  }
0x181: {  	[sflag:s7] =	ssyncadd.s32 $0xFFFFF800  }
0x182: {  	_ =	swait.ge [sflag:s7], $0x800  }
0x183: {  	[sflag:s7] =	ssyncset.done $0x0  }
0x184: {  	[sflag:s7] =	ssyncadd.s32 $0xFFFFF800  }
0x185: {  	_ =	swait.ge [sflag:s7], $0x800  }
0x186: {  	[sflag:s7] =	ssyncset.done $0x0  }
0x187: {  	[sflag:s7] =	ssyncadd.s32 $0xFFFFF800  }
0x188: {  	_ =	swait.ge [sflag:s7], $0x800  }
0x189: {  	[sflag:s7] =	ssyncset.done $0x0  }
0x18a: {  	[sflag:s7] =	ssyncadd.s32 $0xFFFFF800  }
0x18b: {  	_ =	swait.ge [sflag:s7], $0x800  }
0x18c: {  	[sflag:s7] =	ssyncset.done $0x0  }
0x18d: {  	[sflag:s7] =	ssyncadd.s32 $0xFFFFF800  }
0x18e: {  	_ =	swait.ge [sflag:s7], $0x800  }
0x18f: {  	[sflag:s7] =	ssyncset.done $0x0  }
0x190: {  	[sflag:s7] =	ssyncadd.s32 $0xFFFFF800  }
0x191: {  	_ =	swait.ge [sflag:s7], $0x800  }
0x192: {  	[sflag:s7] =	ssyncset.done $0x0  }
0x193: {  	[sflag:s7] =	ssyncadd.s32 $0xFFFFF800  }
0x194: {  	_ =	swait.ge [sflag:s7], $0x800  }
0x195: {  	[sflag:s7] =	ssyncset.done $0x0  }
0x196: {  	[sflag:s7] =	ssyncadd.s32 $0xFFFFF800  }
0x197: {  	_ =	swait.ge [sflag:s7], $0x800  }
0x198: {  	[sflag:s7] =	ssyncset.done $0x0  }
0x199: {  	[sflag:s7] =	ssyncadd.s32 $0xFFFFF800  }
0x19a: {  	_ =	swait.ge [sflag:s7], $0x800  }
0x19b: {  	[sflag:s7] =	ssyncset.done $0x0  }
0x19c: {  	s8 =	sadd.s32 $0x1, s8;
	[sflag:s7] =	ssyncadd.s32 $0xFFFFF800  }
0x19d: {  	p0 =	sne.s32 s8, s4;
	_ =	swait.ge [sflag:s7], $0x800  }
.Ltmp4:
0x19e: {  	[sflag:s7] =	ssyncset.done $0x0;
	(pc) =	sbr.rel @p0 .LBB2_1-.Ltmp4, $4  }
.Ltmp5:
0x19f: {  	[sflag:s7] =	ssyncadd.s32 $0xFFFFF800;
	(pc) =	sbr.rel @!p0 .LBB2_9-.Ltmp5, $4  }
0x1a0: {  	_ =	swait.ge [sflag:s7], $0x800  }
0x1a1: {  	[sflag:s7] =	ssyncset.done $0x0  }
0x1a2: {  	[sflag:s7] =	ssyncadd.s32 $0xFFFFF800  }
0x1a3: {  	_ = 	snop  }
.LBB2_5:
.Ltmp6:
0x1a4: {  	(pc) =	sbr.rel .LBB2_8-.Ltmp6, $2  }
0x1a5: {  	_ =	sdelay $0x2  }
0x1a6: {  	s11 =	simm.s32 $0xFFFFFFC0  }
.LBB2_9:
0x1a7: {  	_ =	sfence.sel $0x180000  }
0x1a8: {  	[bflag:$0x0] =	sbarrier.arrive $0xFFFF  }
0x1a9: {  	p0 =	sne.s32 s2, $0x0;
	_ =	strace $0x90000047  }
0x1aa: {  	s0 =	sadd.s32 @!p0 $0x100000, s0;
	[bflag:$0x2] =	sbarrier.arrive $0xFFFF  }
0x1ab: {  	[sflag:s0] =	ssyncadd.tile.s32 @!p0 $0x1;
	_ =	shalt  }
.Lfunc_end2:
_tile_overlayer_lowered:
.L_overlay_start_2:
0x1ac: {  	(tag) =	ssettag $0x2  }
0x1ad: {  	s0 =	rddreg [dreg:$0x0];
	s2 =	stileid.u32  }
0x1ae: {  	s1 =	rddreg [dreg:$0x1];
	p0 =	sne.s32 s2, $0x0  }
0x1af: {  	s3 =	rddreg [dreg:$0x2];
	[bflag:$0x3] =	sbarrier.arrive $0xFFFF;
	s2 =	simm.s32 @!p0 $0x1C02  }
0x1b0: {  	[timem:s3], [sflag:s2] =	dma.local @!p0 [hbm:s0], s1  }
0x1b1: {  	s0 =	simm.s32 @!p0 $0x2  }
0x1b2: {  	_ =	swait.ge @!p0 [sflag:s0], s1  }
0x1b3: {  	s1 =	ssub.s32 @!p0 $0x0, s1;
	[sflag:s0] =	ssyncset.done @!p0 $0x0  }
0x1b4: {  	[sflag:s0] =	ssyncadd.s32 @!p0 s1  }
0x1b5: {  	[bflag:$0x3] =	sbarrier.arrive $0xFFFF  }
0x1b6: {  	_ =	shalt  }

</sc_bundles>
